<compile_context>
chip_gen: v7x
topology: tpu7x:2x2x1
jax: 0.10.2.dev20260603
libtpu: 0.0.44.dev20260713+nightly
codegen_flags: <defaults>
</compile_context>

<pallas_src>
import functools

import jax
import jax.numpy as jnp
from jax import lax
from jax.experimental import pallas as pl
from jax.experimental.pallas import tpu as pltpu
from jax.experimental.pallas import tpu_sc as plsc


def _table_body(embed_ref, ln_w_ref, ln_b_ref, w_ref, b_ref, table_ref):
    h = embed_ref[...]
    mean = jnp.mean(h, axis=1, keepdims=True)
    var = jnp.mean(jnp.square(h - mean), axis=1, keepdims=True)
    hn = (h - mean) / jnp.sqrt(var + 1e-5) * ln_w_ref[...] + ln_b_ref[...]
    table_ref[...] = (
        lax.dot_general(hn, w_ref[...], (((1,), (1,)), ((), ())),
                        preferred_element_type=jnp.float32)
        + b_ref[...]
    )


def _make_table(embed, ln_w, ln_b, W, b):
    V, E = embed.shape
    return pl.pallas_call(
        _table_body,
        out_shape=jax.ShapeDtypeStruct((V, V), jnp.float32),
    )(embed, ln_w.reshape(1, E), ln_b.reshape(1, E), W, b.reshape(1, V))


_NBUF = 4


def _gather_body(n_groups, chunk, table_hbm, idx_hbm, out_hbm, idx_v, *scr):
    bufs = scr[:_NBUF]
    gsems = scr[_NBUF:2 * _NBUF]
    wsems = scr[2 * _NBUF:3 * _NBUF]
    info = plsc.get_sparse_core_info()
    nc = info.num_cores
    sid = lax.axis_index("s")
    wid = sid * nc + lax.axis_index("c")
    per_tile = n_groups * _NBUF * chunk
    base = wid * per_tile

    pltpu.sync_copy(idx_hbm.at[pl.ds(base, per_tile)], idx_v)

    for b in range(_NBUF):
        pltpu.async_copy(
            table_hbm.at[idx_v.at[pl.ds(b * chunk, chunk)]], bufs[b], gsems[b])

    def step(g, _):
        goff = g * _NBUF * chunk

        for b in range(_NBUF):
            off = goff + b * chunk
            pltpu.make_async_copy(
                table_hbm.at[idx_v.at[pl.ds(off, chunk)]],
                bufs[b], gsems[b]).wait()
            pltpu.async_copy(
                bufs[b], out_hbm.at[pl.ds(base + off, chunk)], wsems[b])

        @pl.when(g + 1 < n_groups)
        def _prefetch():
            for b in range(_NBUF):
                off = goff + b * chunk
                pltpu.make_async_copy(
                    bufs[b], out_hbm.at[pl.ds(base + off, chunk)],
                    wsems[b]).wait()
                pltpu.async_copy(
                    table_hbm.at[idx_v.at[pl.ds(off + _NBUF * chunk, chunk)]],
                    bufs[b], gsems[b])
        return 0

    lax.fori_loop(0, n_groups, step, 0)
    for b in range(_NBUF):
        pltpu.make_async_copy(
            bufs[b], out_hbm.at[pl.ds(base, chunk)], wsems[b]).wait()


def _gather_rows(table, ids):
    V, D = table.shape
    (B,) = ids.shape
    info = plsc.get_sparse_core_info()
    nw = info.num_cores * info.num_subcores
    per_tile = B // nw
    chunk = 16
    n_groups = per_tile // (_NBUF * chunk)
    mesh = plsc.VectorSubcoreMesh(core_axis_name="c", subcore_axis_name="s")
    grab = functools.partial(
        pl.kernel,
        mesh=mesh,
        out_type=jax.ShapeDtypeStruct((B, D), jnp.float32),
        scratch_types=(
            [pltpu.VMEM((per_tile,), jnp.int32)]
            + [pltpu.VMEM((chunk, D), jnp.float32)] * _NBUF
            + [pltpu.SemaphoreType.DMA] * (2 * _NBUF)
        ),
        compiler_params=pltpu.CompilerParams(use_tc_tiling_on_sc=False),
    )(functools.partial(_gather_body, n_groups, chunk))
    return grab(table, ids)


def kernel(input_ids, embed, ln_w, ln_b, W, b):
    Bt, Lt = input_ids.shape
    V, _ = embed.shape
    table = _make_table(embed, ln_w, ln_b, W, b)
    ids = input_ids.reshape(-1).astype(jnp.int32)
    out = _gather_rows(table, ids)
    return out.reshape(Bt, Lt, V)

# --- scband reference (transcript-rebuilt; emitter-appended) ---
"""Pipeline reference for scband-mini-model-12025908429063 (READ-ONLY COPY).

The authoritative reference and input builder live on the scoring server;
editing this copy changes nothing except your own understanding.
"""

import jax, jax.numpy as jnp
import numpy as np

VOCAB = 1000
EMB = 8

def setup_inputs(seed: int = 0) -> dict:
    key = jax.random.key(seed)
    k1, k2, k3, k4 = jax.random.split(key, 4)
    input_ids = jax.random.randint(k1, (4096, 50), 0, VOCAB, dtype=jnp.int64 if jax.config.jax_enable_x64 else jnp.int32)
    embed = jax.random.normal(k2, (VOCAB, EMB), dtype=jnp.float32)
    ln_w = jnp.ones((EMB,), dtype=jnp.float32)
    ln_b = jnp.zeros((EMB,), dtype=jnp.float32)
    # torch Linear default init ~ U(-1/sqrt(in), 1/sqrt(in))
    bound = 1.0 / np.sqrt(EMB)
    W = jax.random.uniform(k3, (VOCAB, EMB), minval=-bound, maxval=bound, dtype=jnp.float32)
    b = jax.random.uniform(k4, (VOCAB,), minval=-bound, maxval=bound, dtype=jnp.float32)
    return {"input_ids": input_ids, "embed": embed, "ln_w": ln_w, "ln_b": ln_b, "W": W, "b": b}

def reference(input_ids, embed, ln_w, ln_b, W, b):
    # embedding gather
    h = jnp.take(embed, input_ids, axis=0)  # [B, L, EMB]
    # LayerNorm (torch semantics: biased variance, eps=1e-5)
    mean = jnp.mean(h, axis=-1, keepdims=True)
    var = jnp.mean(jnp.square(h - mean), axis=-1, keepdims=True)
    h = (h - mean) / jnp.sqrt(var + 1e-5) * ln_w + ln_b
    # lm_head: Linear(EMB, VOCAB) -> h @ W.T + b
    out = jnp.einsum('blh,vh->blv', h, W) + b
    return out

if __name__ == "__main__":
    import jax
    _d = setup_inputs()
    print(jax.jit(kernel)(*tuple(_d.values())))

</pallas_src>

<mosaic_0001>
#map = affine_map<(d0, d1) -> (0, 0)>
#map1 = affine_map<(d0, d1) -> (0)>
module attributes {stable_mosaic.version = 14 : i64} {
  func.func @_gather_body(%arg0: i32, %arg1: i32, %arg2: memref<1000x1000xf32, #tpu.memory_space<hbm>>, %arg3: memref<204800xi32, #tpu.memory_space<hbm>>, %arg4: memref<204800x1000xf32, #tpu.memory_space<hbm>>, %arg5: memref<6400xi32, #tpu.memory_space<vmem>>, %arg6: memref<16x1000xf32, #tpu.memory_space<vmem>>, %arg7: memref<16x1000xf32, #tpu.memory_space<vmem>>, %arg8: memref<16x1000xf32, #tpu.memory_space<vmem>>, %arg9: memref<16x1000xf32, #tpu.memory_space<vmem>>, %arg10: memref<!tpu.dma_semaphore, #tpu.memory_space<semaphore_mem>>, %arg11: memref<!tpu.dma_semaphore, #tpu.memory_space<semaphore_mem>>, %arg12: memref<!tpu.dma_semaphore, #tpu.memory_space<semaphore_mem>>, %arg13: memref<!tpu.dma_semaphore, #tpu.memory_space<semaphore_mem>>, %arg14: memref<!tpu.dma_semaphore, #tpu.memory_space<semaphore_mem>>, %arg15: memref<!tpu.dma_semaphore, #tpu.memory_space<semaphore_mem>>, %arg16: memref<!tpu.dma_semaphore, #tpu.memory_space<semaphore_mem>>, %arg17: memref<!tpu.dma_semaphore, #tpu.memory_space<semaphore_mem>>) attributes {dimension_semantics = [#tpu.dimension_semantics<core_parallel>, #tpu.dimension_semantics<subcore_parallel>], iteration_bounds = array<i64: 2, 16>, scalar_prefetch = 0 : i64, scratch_operands = 13 : i64, tpu.core_type = #tpu.core_type<sc_vector_subcore>, window_params = [{transform_indices = #map}, {transform_indices = #map1}, {transform_indices = #map}]} {
    %mul3A = arith.constant 2 : i32
    %mul3A_0 = arith.muli %arg1, %mul3A : i32
    %add3A = arith.addi %mul3A_0, %arg0 : i32
    %mul3A_1 = arith.constant 6400 : i32
    %mul3A_2 = arith.muli %add3A, %mul3A_1 : i32
    "tpu.region"() ({
      %run_scoped3A = tpu.sem_alloc : memref<!tpu.dma_semaphore, #tpu.memory_space<semaphore_mem>>
      %dma_start3A_43 = tpu.memref_slice %arg3[%mul3A_2] : memref<204800xi32, #tpu.memory_space<hbm>> -> memref<6400xi32, #tpu.memory_space<hbm>>
      %dma_start3A_44 = tpu.memref_slice %arg3[%mul3A_2] : memref<204800xi32, #tpu.memory_space<hbm>> -> memref<6400xi32, #tpu.memory_space<hbm>>
      tpu.enqueue_dma source(%dma_start3A_44 : memref<6400xi32, #tpu.memory_space<hbm>>) target(%arg5 : memref<6400xi32, #tpu.memory_space<vmem>>) target_semaphore(%run_scoped3A : memref<!tpu.dma_semaphore, #tpu.memory_space<semaphore_mem>>)
      %dma_wait3A_45 = tpu.memref_slice %arg3[%mul3A_2] : memref<204800xi32, #tpu.memory_space<hbm>> -> memref<6400xi32, #tpu.memory_space<hbm>>
      %dma_wait3A_46 = tpu.memref_slice %arg3[%mul3A_2] : memref<204800xi32, #tpu.memory_space<hbm>> -> memref<6400xi32, #tpu.memory_space<hbm>>
      tpu.wait_dma2 semaphore(%run_scoped3A : memref<!tpu.dma_semaphore, #tpu.memory_space<semaphore_mem>>) src(%dma_wait3A_46 : memref<6400xi32, #tpu.memory_space<hbm>>) dst(%arg5 : memref<6400xi32, #tpu.memory_space<vmem>>)
      tpu.yield
    }) : () -> ()
    %dma_start3A = arith.constant 0 : i32
    %dma_start3A_3 = tpu.memref_slice %arg5[%dma_start3A] : memref<6400xi32, #tpu.memory_space<vmem>> -> memref<16xi32, #tpu.memory_space<vmem>>
    %dma_start3A_4 = arith.constant 0 : i32
    %dma_start3A_5 = arith.constant 0 : i32
    %dma_start3A_6 = tpu.memref_slice %arg2[%dma_start3A_4, %dma_start3A_5] : memref<1000x1000xf32, #tpu.memory_space<hbm>> -> memref<1000x1000xf32, #tpu.memory_space<hbm>>
    tpu.enqueue_indirect_dma source(%dma_start3A_6 : memref<1000x1000xf32, #tpu.memory_space<hbm>>) target(%arg6 : memref<16x1000xf32, #tpu.memory_space<vmem>>) offsets(%dma_start3A_3 : memref<16xi32, #tpu.memory_space<vmem>>) semaphore(%arg10 : memref<!tpu.dma_semaphore, #tpu.memory_space<semaphore_mem>>)
    %dma_start3A_7 = arith.constant 16 : i32
    %dma_start3A_8 = tpu.memref_slice %arg5[%dma_start3A_7] : memref<6400xi32, #tpu.memory_space<vmem>> -> memref<16xi32, #tpu.memory_space<vmem>>
    %dma_start3A_9 = arith.constant 0 : i32
    %dma_start3A_10 = arith.constant 0 : i32
    %dma_start3A_11 = tpu.memref_slice %arg2[%dma_start3A_9, %dma_start3A_10] : memref<1000x1000xf32, #tpu.memory_space<hbm>> -> memref<1000x1000xf32, #tpu.memory_space<hbm>>
    tpu.enqueue_indirect_dma source(%dma_start3A_11 : memref<1000x1000xf32, #tpu.memory_space<hbm>>) target(%arg7 : memref<16x1000xf32, #tpu.memory_space<vmem>>) offsets(%dma_start3A_8 : memref<16xi32, #tpu.memory_space<vmem>>) semaphore(%arg11 : memref<!tpu.dma_semaphore, #tpu.memory_space<semaphore_mem>>)
    %dma_start3A_12 = arith.constant 32 : i32
    %dma_start3A_13 = tpu.memref_slice %arg5[%dma_start3A_12] : memref<6400xi32, #tpu.memory_space<vmem>> -> memref<16xi32, #tpu.memory_space<vmem>>
    %dma_start3A_14 = arith.constant 0 : i32
    %dma_start3A_15 = arith.constant 0 : i32
    %dma_start3A_16 = tpu.memref_slice %arg2[%dma_start3A_14, %dma_start3A_15] : memref<1000x1000xf32, #tpu.memory_space<hbm>> -> memref<1000x1000xf32, #tpu.memory_space<hbm>>
    tpu.enqueue_indirect_dma source(%dma_start3A_16 : memref<1000x1000xf32, #tpu.memory_space<hbm>>) target(%arg8 : memref<16x1000xf32, #tpu.memory_space<vmem>>) offsets(%dma_start3A_13 : memref<16xi32, #tpu.memory_space<vmem>>) semaphore(%arg12 : memref<!tpu.dma_semaphore, #tpu.memory_space<semaphore_mem>>)
    %dma_start3A_17 = arith.constant 48 : i32
    %dma_start3A_18 = tpu.memref_slice %arg5[%dma_start3A_17] : memref<6400xi32, #tpu.memory_space<vmem>> -> memref<16xi32, #tpu.memory_space<vmem>>
    %dma_start3A_19 = arith.constant 0 : i32
    %dma_start3A_20 = arith.constant 0 : i32
    %dma_start3A_21 = tpu.memref_slice %arg2[%dma_start3A_19, %dma_start3A_20] : memref<1000x1000xf32, #tpu.memory_space<hbm>> -> memref<1000x1000xf32, #tpu.memory_space<hbm>>
    tpu.enqueue_indirect_dma source(%dma_start3A_21 : memref<1000x1000xf32, #tpu.memory_space<hbm>>) target(%arg9 : memref<16x1000xf32, #tpu.memory_space<vmem>>) offsets(%dma_start3A_18 : memref<16xi32, #tpu.memory_space<vmem>>) semaphore(%arg13 : memref<!tpu.dma_semaphore, #tpu.memory_space<semaphore_mem>>)
    %scan3A = arith.constant 0 : i32
    %scan3A_22 = arith.constant 0 : i32
    %scan3A_23 = arith.constant 100 : i32
    %scan3A_24 = arith.addi %scan3A_22, %scan3A_23 : i32
    %scan3A_25 = arith.constant 1 : i32
    %scan3A_26 = scf.for %scan3A_43 = %scan3A_22 to %scan3A_24 step %scan3A_25 iter_args(%scan3A_44 = %scan3A) -> (i32)  : i32 {
      %mul3A_45 = arith.constant 4 : i32
      %mul3A_46 = arith.muli %scan3A_43, %mul3A_45 : i32
      %mul3A_47 = arith.constant 16 : i32
      %mul3A_48 = arith.muli %mul3A_46, %mul3A_47 : i32
      %add3A_49 = arith.constant 0 : i32
      %add3A_50 = arith.addi %mul3A_48, %add3A_49 : i32
      %dma_wait3A_51 = tpu.memref_slice %arg5[%add3A_50] : memref<6400xi32, #tpu.memory_space<vmem>> -> memref<16xi32, #tpu.memory_space<vmem>>
      %dma_wait3A_52 = arith.constant 0 : i32
      %dma_wait3A_53 = arith.constant 0 : i32
      %dma_wait3A_54 = tpu.memref_slice %arg2[%dma_wait3A_52, %dma_wait3A_53] : memref<1000x1000xf32, #tpu.memory_space<hbm>> -> memref<1000x1000xf32, #tpu.memory_space<hbm>>
      tpu.wait_indirect_dma semaphore(%arg10 : memref<!tpu.dma_semaphore, #tpu.memory_space<semaphore_mem>>) src(%dma_wait3A_54 : memref<1000x1000xf32, #tpu.memory_space<hbm>>) dst(%arg6 : memref<16x1000xf32, #tpu.memory_space<vmem>>)
      %add3A_55 = arith.addi %mul3A_2, %add3A_50 : i32
      %dma_start3A_56 = arith.constant 0 : i32
      %dma_start3A_57 = tpu.memref_slice %arg4[%add3A_55, %dma_start3A_56] : memref<204800x1000xf32, #tpu.memory_space<hbm>> -> memref<16x1000xf32, #tpu.memory_space<hbm>>
      %dma_start3A_58 = arith.constant 0 : i32
      %dma_start3A_59 = tpu.memref_slice %arg4[%add3A_55, %dma_start3A_58] : memref<204800x1000xf32, #tpu.memory_space<hbm>> -> memref<16x1000xf32, #tpu.memory_space<hbm>>
      tpu.enqueue_dma source(%arg6 : memref<16x1000xf32, #tpu.memory_space<vmem>>) target(%dma_start3A_59 : memref<16x1000xf32, #tpu.memory_space<hbm>>) target_semaphore(%arg14 : memref<!tpu.dma_semaphore, #tpu.memory_space<semaphore_mem>>)
      %add3A_60 = arith.constant 16 : i32
      %add3A_61 = arith.addi %mul3A_48, %add3A_60 : i32
      %dma_wait3A_62 = tpu.memref_slice %arg5[%add3A_61] : memref<6400xi32, #tpu.memory_space<vmem>> -> memref<16xi32, #tpu.memory_space<vmem>>
      %dma_wait3A_63 = arith.constant 0 : i32
      %dma_wait3A_64 = arith.constant 0 : i32
      %dma_wait3A_65 = tpu.memref_slice %arg2[%dma_wait3A_63, %dma_wait3A_64] : memref<1000x1000xf32, #tpu.memory_space<hbm>> -> memref<1000x1000xf32, #tpu.memory_space<hbm>>
      tpu.wait_indirect_dma semaphore(%arg11 : memref<!tpu.dma_semaphore, #tpu.memory_space<semaphore_mem>>) src(%dma_wait3A_65 : memref<1000x1000xf32, #tpu.memory_space<hbm>>) dst(%arg7 : memref<16x1000xf32, #tpu.memory_space<vmem>>)
      %add3A_66 = arith.addi %mul3A_2, %add3A_61 : i32
      %dma_start3A_67 = arith.constant 0 : i32
      %dma_start3A_68 = tpu.memref_slice %arg4[%add3A_66, %dma_start3A_67] : memref<204800x1000xf32, #tpu.memory_space<hbm>> -> memref<16x1000xf32, #tpu.memory_space<hbm>>
      %dma_start3A_69 = arith.constant 0 : i32
      %dma_start3A_70 = tpu.memref_slice %arg4[%add3A_66, %dma_start3A_69] : memref<204800x1000xf32, #tpu.memory_space<hbm>> -> memref<16x1000xf32, #tpu.memory_space<hbm>>
      tpu.enqueue_dma source(%arg7 : memref<16x1000xf32, #tpu.memory_space<vmem>>) target(%dma_start3A_70 : memref<16x1000xf32, #tpu.memory_space<hbm>>) target_semaphore(%arg15 : memref<!tpu.dma_semaphore, #tpu.memory_space<semaphore_mem>>)
      %add3A_71 = arith.constant 32 : i32
      %add3A_72 = arith.addi %mul3A_48, %add3A_71 : i32
      %dma_wait3A_73 = tpu.memref_slice %arg5[%add3A_72] : memref<6400xi32, #tpu.memory_space<vmem>> -> memref<16xi32, #tpu.memory_space<vmem>>
      %dma_wait3A_74 = arith.constant 0 : i32
      %dma_wait3A_75 = arith.constant 0 : i32
      %dma_wait3A_76 = tpu.memref_slice %arg2[%dma_wait3A_74, %dma_wait3A_75] : memref<1000x1000xf32, #tpu.memory_space<hbm>> -> memref<1000x1000xf32, #tpu.memory_space<hbm>>
      tpu.wait_indirect_dma semaphore(%arg12 : memref<!tpu.dma_semaphore, #tpu.memory_space<semaphore_mem>>) src(%dma_wait3A_76 : memref<1000x1000xf32, #tpu.memory_space<hbm>>) dst(%arg8 : memref<16x1000xf32, #tpu.memory_space<vmem>>)
      %add3A_77 = arith.addi %mul3A_2, %add3A_72 : i32
      %dma_start3A_78 = arith.constant 0 : i32
      %dma_start3A_79 = tpu.memref_slice %arg4[%add3A_77, %dma_start3A_78] : memref<204800x1000xf32, #tpu.memory_space<hbm>> -> memref<16x1000xf32, #tpu.memory_space<hbm>>
      %dma_start3A_80 = arith.constant 0 : i32
      %dma_start3A_81 = tpu.memref_slice %arg4[%add3A_77, %dma_start3A_80] : memref<204800x1000xf32, #tpu.memory_space<hbm>> -> memref<16x1000xf32, #tpu.memory_space<hbm>>
      tpu.enqueue_dma source(%arg8 : memref<16x1000xf32, #tpu.memory_space<vmem>>) target(%dma_start3A_81 : memref<16x1000xf32, #tpu.memory_space<hbm>>) target_semaphore(%arg16 : memref<!tpu.dma_semaphore, #tpu.memory_space<semaphore_mem>>)
      %add3A_82 = arith.constant 48 : i32
      %add3A_83 = arith.addi %mul3A_48, %add3A_82 : i32
      %dma_wait3A_84 = tpu.memref_slice %arg5[%add3A_83] : memref<6400xi32, #tpu.memory_space<vmem>> -> memref<16xi32, #tpu.memory_space<vmem>>
      %dma_wait3A_85 = arith.constant 0 : i32
      %dma_wait3A_86 = arith.constant 0 : i32
      %dma_wait3A_87 = tpu.memref_slice %arg2[%dma_wait3A_85, %dma_wait3A_86] : memref<1000x1000xf32, #tpu.memory_space<hbm>> -> memref<1000x1000xf32, #tpu.memory_space<hbm>>
      tpu.wait_indirect_dma semaphore(%arg13 : memref<!tpu.dma_semaphore, #tpu.memory_space<semaphore_mem>>) src(%dma_wait3A_87 : memref<1000x1000xf32, #tpu.memory_space<hbm>>) dst(%arg9 : memref<16x1000xf32, #tpu.memory_space<vmem>>)
      %add3A_88 = arith.addi %mul3A_2, %add3A_83 : i32
      %dma_start3A_89 = arith.constant 0 : i32
      %dma_start3A_90 = tpu.memref_slice %arg4[%add3A_88, %dma_start3A_89] : memref<204800x1000xf32, #tpu.memory_space<hbm>> -> memref<16x1000xf32, #tpu.memory_space<hbm>>
      %dma_start3A_91 = arith.constant 0 : i32
      %dma_start3A_92 = tpu.memref_slice %arg4[%add3A_88, %dma_start3A_91] : memref<204800x1000xf32, #tpu.memory_space<hbm>> -> memref<16x1000xf32, #tpu.memory_space<hbm>>
      tpu.enqueue_dma source(%arg9 : memref<16x1000xf32, #tpu.memory_space<vmem>>) target(%dma_start3A_92 : memref<16x1000xf32, #tpu.memory_space<hbm>>) target_semaphore(%arg17 : memref<!tpu.dma_semaphore, #tpu.memory_space<semaphore_mem>>)
      %add3A_93 = arith.constant 1 : i32
      %add3A_94 = arith.addi %scan3A_43, %add3A_93 : i32
      %lt3A = arith.constant 100 : i32
      %lt3A_95 = arith.cmpi slt, %add3A_94, %lt3A : i32
      %convert_element_type3A = arith.extui %lt3A_95 : i1 to i32
      %cond3A = arith.constant 0 : i32
      %cond3A_96 = arith.cmpi ne, %convert_element_type3A, %cond3A : i32
      scf.if %cond3A_96 {
        %add3A_98 = arith.constant 0 : i32
        %add3A_99 = arith.addi %mul3A_48, %add3A_98 : i32
        %add3A_100 = arith.addi %mul3A_2, %add3A_99 : i32
        %dma_wait3A_101 = arith.constant 0 : i32
        %dma_wait3A_102 = tpu.memref_slice %arg4[%add3A_100, %dma_wait3A_101] : memref<204800x1000xf32, #tpu.memory_space<hbm>> -> memref<16x1000xf32, #tpu.memory_space<hbm>>
        %dma_wait3A_103 = arith.constant 0 : i32
        %dma_wait3A_104 = tpu.memref_slice %arg4[%add3A_100, %dma_wait3A_103] : memref<204800x1000xf32, #tpu.memory_space<hbm>> -> memref<16x1000xf32, #tpu.memory_space<hbm>>
        tpu.wait_dma2 semaphore(%arg14 : memref<!tpu.dma_semaphore, #tpu.memory_space<semaphore_mem>>) src(%arg6 : memref<16x1000xf32, #tpu.memory_space<vmem>>) dst(%dma_wait3A_104 : memref<16x1000xf32, #tpu.memory_space<hbm>>)
        %add3A_105 = arith.constant 64 : i32
        %add3A_106 = arith.addi %add3A_99, %add3A_105 : i32
        %dma_start3A_107 = tpu.memref_slice %arg5[%add3A_106] : memref<6400xi32, #tpu.memory_space<vmem>> -> memref<16xi32, #tpu.memory_space<vmem>>
        %dma_start3A_108 = arith.constant 0 : i32
        %dma_start3A_109 = arith.constant 0 : i32
        %dma_start3A_110 = tpu.memref_slice %arg2[%dma_start3A_108, %dma_start3A_109] : memref<1000x1000xf32, #tpu.memory_space<hbm>> -> memref<1000x1000xf32, #tpu.memory_space<hbm>>
        tpu.enqueue_indirect_dma source(%dma_start3A_110 : memref<1000x1000xf32, #tpu.memory_space<hbm>>) target(%arg6 : memref<16x1000xf32, #tpu.memory_space<vmem>>) offsets(%dma_start3A_107 : memref<16xi32, #tpu.memory_space<vmem>>) semaphore(%arg10 : memref<!tpu.dma_semaphore, #tpu.memory_space<semaphore_mem>>)
        %add3A_111 = arith.constant 16 : i32
        %add3A_112 = arith.addi %mul3A_48, %add3A_111 : i32
        %add3A_113 = arith.addi %mul3A_2, %add3A_112 : i32
        %dma_wait3A_114 = arith.constant 0 : i32
        %dma_wait3A_115 = tpu.memref_slice %arg4[%add3A_113, %dma_wait3A_114] : memref<204800x1000xf32, #tpu.memory_space<hbm>> -> memref<16x1000xf32, #tpu.memory_space<hbm>>
        %dma_wait3A_116 = arith.constant 0 : i32
        %dma_wait3A_117 = tpu.memref_slice %arg4[%add3A_113, %dma_wait3A_116] : memref<204800x1000xf32, #tpu.memory_space<hbm>> -> memref<16x1000xf32, #tpu.memory_space<hbm>>
        tpu.wait_dma2 semaphore(%arg15 : memref<!tpu.dma_semaphore, #tpu.memory_space<semaphore_mem>>) src(%arg7 : memref<16x1000xf32, #tpu.memory_space<vmem>>) dst(%dma_wait3A_117 : memref<16x1000xf32, #tpu.memory_space<hbm>>)
        %add3A_118 = arith.constant 64 : i32
        %add3A_119 = arith.addi %add3A_112, %add3A_118 : i32
        %dma_start3A_120 = tpu.memref_slice %arg5[%add3A_119] : memref<6400xi32, #tpu.memory_space<vmem>> -> memref<16xi32, #tpu.memory_space<vmem>>
        %dma_start3A_121 = arith.constant 0 : i32
        %dma_start3A_122 = arith.constant 0 : i32
        %dma_start3A_123 = tpu.memref_slice %arg2[%dma_start3A_121, %dma_start3A_122] : memref<1000x1000xf32, #tpu.memory_space<hbm>> -> memref<1000x1000xf32, #tpu.memory_space<hbm>>
        tpu.enqueue_indirect_dma source(%dma_start3A_123 : memref<1000x1000xf32, #tpu.memory_space<hbm>>) target(%arg7 : memref<16x1000xf32, #tpu.memory_space<vmem>>) offsets(%dma_start3A_120 : memref<16xi32, #tpu.memory_space<vmem>>) semaphore(%arg11 : memref<!tpu.dma_semaphore, #tpu.memory_space<semaphore_mem>>)
        %add3A_124 = arith.constant 32 : i32
        %add3A_125 = arith.addi %mul3A_48, %add3A_124 : i32
        %add3A_126 = arith.addi %mul3A_2, %add3A_125 : i32
        %dma_wait3A_127 = arith.constant 0 : i32
        %dma_wait3A_128 = tpu.memref_slice %arg4[%add3A_126, %dma_wait3A_127] : memref<204800x1000xf32, #tpu.memory_space<hbm>> -> memref<16x1000xf32, #tpu.memory_space<hbm>>
        %dma_wait3A_129 = arith.constant 0 : i32
        %dma_wait3A_130 = tpu.memref_slice %arg4[%add3A_126, %dma_wait3A_129] : memref<204800x1000xf32, #tpu.memory_space<hbm>> -> memref<16x1000xf32, #tpu.memory_space<hbm>>
        tpu.wait_dma2 semaphore(%arg16 : memref<!tpu.dma_semaphore, #tpu.memory_space<semaphore_mem>>) src(%arg8 : memref<16x1000xf32, #tpu.memory_space<vmem>>) dst(%dma_wait3A_130 : memref<16x1000xf32, #tpu.memory_space<hbm>>)
        %add3A_131 = arith.constant 64 : i32
        %add3A_132 = arith.addi %add3A_125, %add3A_131 : i32
        %dma_start3A_133 = tpu.memref_slice %arg5[%add3A_132] : memref<6400xi32, #tpu.memory_space<vmem>> -> memref<16xi32, #tpu.memory_space<vmem>>
        %dma_start3A_134 = arith.constant 0 : i32
        %dma_start3A_135 = arith.constant 0 : i32
        %dma_start3A_136 = tpu.memref_slice %arg2[%dma_start3A_134, %dma_start3A_135] : memref<1000x1000xf32, #tpu.memory_space<hbm>> -> memref<1000x1000xf32, #tpu.memory_space<hbm>>
        tpu.enqueue_indirect_dma source(%dma_start3A_136 : memref<1000x1000xf32, #tpu.memory_space<hbm>>) target(%arg8 : memref<16x1000xf32, #tpu.memory_space<vmem>>) offsets(%dma_start3A_133 : memref<16xi32, #tpu.memory_space<vmem>>) semaphore(%arg12 : memref<!tpu.dma_semaphore, #tpu.memory_space<semaphore_mem>>)
        %add3A_137 = arith.constant 48 : i32
        %add3A_138 = arith.addi %mul3A_48, %add3A_137 : i32
        %add3A_139 = arith.addi %mul3A_2, %add3A_138 : i32
        %dma_wait3A_140 = arith.constant 0 : i32
        %dma_wait3A_141 = tpu.memref_slice %arg4[%add3A_139, %dma_wait3A_140] : memref<204800x1000xf32, #tpu.memory_space<hbm>> -> memref<16x1000xf32, #tpu.memory_space<hbm>>
        %dma_wait3A_142 = arith.constant 0 : i32
        %dma_wait3A_143 = tpu.memref_slice %arg4[%add3A_139, %dma_wait3A_142] : memref<204800x1000xf32, #tpu.memory_space<hbm>> -> memref<16x1000xf32, #tpu.memory_space<hbm>>
        tpu.wait_dma2 semaphore(%arg17 : memref<!tpu.dma_semaphore, #tpu.memory_space<semaphore_mem>>) src(%arg9 : memref<16x1000xf32, #tpu.memory_space<vmem>>) dst(%dma_wait3A_143 : memref<16x1000xf32, #tpu.memory_space<hbm>>)
        %add3A_144 = arith.constant 64 : i32
        %add3A_145 = arith.addi %add3A_138, %add3A_144 : i32
        %dma_start3A_146 = tpu.memref_slice %arg5[%add3A_145] : memref<6400xi32, #tpu.memory_space<vmem>> -> memref<16xi32, #tpu.memory_space<vmem>>
        %dma_start3A_147 = arith.constant 0 : i32
        %dma_start3A_148 = arith.constant 0 : i32
        %dma_start3A_149 = tpu.memref_slice %arg2[%dma_start3A_147, %dma_start3A_148] : memref<1000x1000xf32, #tpu.memory_space<hbm>> -> memref<1000x1000xf32, #tpu.memory_space<hbm>>
        tpu.enqueue_indirect_dma source(%dma_start3A_149 : memref<1000x1000xf32, #tpu.memory_space<hbm>>) target(%arg9 : memref<16x1000xf32, #tpu.memory_space<vmem>>) offsets(%dma_start3A_146 : memref<16xi32, #tpu.memory_space<vmem>>) semaphore(%arg13 : memref<!tpu.dma_semaphore, #tpu.memory_space<semaphore_mem>>)
      } else {
      }
      %scan3A_97 = arith.constant 0 : i32
      scf.yield %scan3A_97 : i32
    }
    %scan3A_27 = arith.constant 100 : i32
    %dma_wait3A = arith.constant 0 : i32
    %dma_wait3A_28 = tpu.memref_slice %arg4[%mul3A_2, %dma_wait3A] : memref<204800x1000xf32, #tpu.memory_space<hbm>> -> memref<16x1000xf32, #tpu.memory_space<hbm>>
    %dma_wait3A_29 = arith.constant 0 : i32
    %dma_wait3A_30 = tpu.memref_slice %arg4[%mul3A_2, %dma_wait3A_29] : memref<204800x1000xf32, #tpu.memory_space<hbm>> -> memref<16x1000xf32, #tpu.memory_space<hbm>>
    tpu.wait_dma2 semaphore(%arg14 : memref<!tpu.dma_semaphore, #tpu.memory_space<semaphore_mem>>) src(%arg6 : memref<16x1000xf32, #tpu.memory_space<vmem>>) dst(%dma_wait3A_30 : memref<16x1000xf32, #tpu.memory_space<hbm>>)
    %dma_wait3A_31 = arith.constant 0 : i32
    %dma_wait3A_32 = tpu.memref_slice %arg4[%mul3A_2, %dma_wait3A_31] : memref<204800x1000xf32, #tpu.memory_space<hbm>> -> memref<16x1000xf32, #tpu.memory_space<hbm>>
    %dma_wait3A_33 = arith.constant 0 : i32
    %dma_wait3A_34 = tpu.memref_slice %arg4[%mul3A_2, %dma_wait3A_33] : memref<204800x1000xf32, #tpu.memory_space<hbm>> -> memref<16x1000xf32, #tpu.memory_space<hbm>>
    tpu.wait_dma2 semaphore(%arg15 : memref<!tpu.dma_semaphore, #tpu.memory_space<semaphore_mem>>) src(%arg7 : memref<16x1000xf32, #tpu.memory_space<vmem>>) dst(%dma_wait3A_34 : memref<16x1000xf32, #tpu.memory_space<hbm>>)
    %dma_wait3A_35 = arith.constant 0 : i32
    %dma_wait3A_36 = tpu.memref_slice %arg4[%mul3A_2, %dma_wait3A_35] : memref<204800x1000xf32, #tpu.memory_space<hbm>> -> memref<16x1000xf32, #tpu.memory_space<hbm>>
    %dma_wait3A_37 = arith.constant 0 : i32
    %dma_wait3A_38 = tpu.memref_slice %arg4[%mul3A_2, %dma_wait3A_37] : memref<204800x1000xf32, #tpu.memory_space<hbm>> -> memref<16x1000xf32, #tpu.memory_space<hbm>>
    tpu.wait_dma2 semaphore(%arg16 : memref<!tpu.dma_semaphore, #tpu.memory_space<semaphore_mem>>) src(%arg8 : memref<16x1000xf32, #tpu.memory_space<vmem>>) dst(%dma_wait3A_38 : memref<16x1000xf32, #tpu.memory_space<hbm>>)
    %dma_wait3A_39 = arith.constant 0 : i32
    %dma_wait3A_40 = tpu.memref_slice %arg4[%mul3A_2, %dma_wait3A_39] : memref<204800x1000xf32, #tpu.memory_space<hbm>> -> memref<16x1000xf32, #tpu.memory_space<hbm>>
    %dma_wait3A_41 = arith.constant 0 : i32
    %dma_wait3A_42 = tpu.memref_slice %arg4[%mul3A_2, %dma_wait3A_41] : memref<204800x1000xf32, #tpu.memory_space<hbm>> -> memref<16x1000xf32, #tpu.memory_space<hbm>>
    tpu.wait_dma2 semaphore(%arg17 : memref<!tpu.dma_semaphore, #tpu.memory_space<semaphore_mem>>) src(%arg9 : memref<16x1000xf32, #tpu.memory_space<vmem>>) dst(%dma_wait3A_42 : memref<16x1000xf32, #tpu.memory_space<hbm>>)
    return
  }
}

module attributes {stable_mosaic.version = 14 : i64} {
  func.func @_table_body(%arg0: memref<1000x8xf32, #tpu.memory_space<vmem>>, %arg1: memref<1x8xf32, #tpu.memory_space<vmem>>, %arg2: memref<1x8xf32, #tpu.memory_space<vmem>>, %arg3: memref<1000x8xf32, #tpu.memory_space<vmem>>, %arg4: memref<1x1000xf32, #tpu.memory_space<vmem>>, %arg5: memref<1000x1000xf32, #tpu.memory_space<vmem>>) attributes {dimension_semantics = [], scalar_prefetch = 0 : i64, scratch_operands = 0 : i64, tpu.core_type = #tpu.core_type<tc>} {
    %get3A = arith.constant 0 : index
    %get3A_0 = arith.constant 0 : index
    %get3A_1 = vector.load %arg0[%get3A, %get3A_0] : memref<1000x8xf32, #tpu.memory_space<vmem>>, vector<1000x8xf32>
    %reduce_sum3A = arith.constant dense<0.000000e+00> : vector<1000xf32>
    %reduce_sum3A_2 = vector.multi_reduction <add>, %get3A_1, %reduce_sum3A [1] : vector<1000x8xf32> to vector<1000xf32>
    %broadcast_in_dim3A = vector.shape_cast %reduce_sum3A_2 : vector<1000xf32> to vector<1000x1xf32>
    %div3A = arith.constant 8.000000e+00 : f32
    %div3A_3 = vector.broadcast %div3A : f32 to vector<1000x1xf32>
    %div3A_4 = arith.divf %broadcast_in_dim3A, %div3A_3 : vector<1000x1xf32>
    %sub3A = vector.broadcast %div3A_4 : vector<1000x1xf32> to vector<1000x8xf32>
    %sub3A_5 = arith.subf %get3A_1, %sub3A : vector<1000x8xf32>
    %square3A = arith.mulf %sub3A_5, %sub3A_5 : vector<1000x8xf32>
    %reduce_sum3A_6 = arith.constant dense<0.000000e+00> : vector<1000xf32>
    %reduce_sum3A_7 = vector.multi_reduction <add>, %square3A, %reduce_sum3A_6 [1] : vector<1000x8xf32> to vector<1000xf32>
    %broadcast_in_dim3A_8 = vector.shape_cast %reduce_sum3A_7 : vector<1000xf32> to vector<1000x1xf32>
    %div3A_9 = arith.constant 8.000000e+00 : f32
    %div3A_10 = vector.broadcast %div3A_9 : f32 to vector<1000x1xf32>
    %div3A_11 = arith.divf %broadcast_in_dim3A_8, %div3A_10 : vector<1000x1xf32>
    %sub3A_12 = vector.broadcast %div3A_4 : vector<1000x1xf32> to vector<1000x8xf32>
    %sub3A_13 = arith.subf %get3A_1, %sub3A_12 : vector<1000x8xf32>
    %add3A = arith.constant 9.99999974E-6 : f32
    %add3A_14 = vector.broadcast %add3A : f32 to vector<1000x1xf32>
    %add3A_15 = arith.addf %div3A_11, %add3A_14 : vector<1000x1xf32>
    %sqrt3A = math.sqrt %add3A_15 : vector<1000x1xf32>
    %div3A_16 = vector.broadcast %sqrt3A : vector<1000x1xf32> to vector<1000x8xf32>
    %div3A_17 = arith.divf %sub3A_13, %div3A_16 : vector<1000x8xf32>
    %get3A_18 = arith.constant 0 : index
    %get3A_19 = arith.constant 0 : index
    %get3A_20 = vector.load %arg1[%get3A_18, %get3A_19] : memref<1x8xf32, #tpu.memory_space<vmem>>, vector<1x8xf32>
    %mul3A = vector.broadcast %get3A_20 : vector<1x8xf32> to vector<1000x8xf32>
    %mul3A_21 = arith.mulf %div3A_17, %mul3A : vector<1000x8xf32>
    %get3A_22 = arith.constant 0 : index
    %get3A_23 = arith.constant 0 : index
    %get3A_24 = vector.load %arg2[%get3A_22, %get3A_23] : memref<1x8xf32, #tpu.memory_space<vmem>>, vector<1x8xf32>
    %add3A_25 = vector.broadcast %get3A_24 : vector<1x8xf32> to vector<1000x8xf32>
    %add3A_26 = arith.addf %mul3A_21, %add3A_25 : vector<1000x8xf32>
    %get3A_27 = arith.constant 0 : index
    %get3A_28 = arith.constant 0 : index
    %get3A_29 = vector.load %arg3[%get3A_27, %get3A_28] : memref<1000x8xf32, #tpu.memory_space<vmem>>, vector<1000x8xf32>
    %dot_general3A = arith.constant dense<0.000000e+00> : vector<1000x1000xf32>
    %dot_general3A_30 = tpu.matmul %add3A_26, %get3A_29, %dot_general3A {dimension_numbers = #tpu.dot_dimension_numbers<[1], [1], [0], [0], [0, 0, 1, 0], [], []>, transpose_lhs_hint = false} : vector<1000x8xf32>, vector<1000x8xf32>, vector<1000x1000xf32> -> vector<1000x1000xf32>
    %get3A_31 = arith.constant 0 : index
    %get3A_32 = arith.constant 0 : index
    %get3A_33 = vector.load %arg4[%get3A_31, %get3A_32] : memref<1x1000xf32, #tpu.memory_space<vmem>>, vector<1x1000xf32>
    %add3A_34 = vector.broadcast %get3A_33 : vector<1x1000xf32> to vector<1000x1000xf32>
    %add3A_35 = arith.addf %dot_general3A_30, %add3A_34 : vector<1000x1000xf32>
    %swap3A = arith.constant 0 : index
    %swap3A_36 = arith.constant 0 : index
    %swap3A_37 = vector.load %arg5[%swap3A, %swap3A_36] : memref<1000x1000xf32, #tpu.memory_space<vmem>>, vector<1000x1000xf32>
    tpu.vector_store %arg5[%swap3A, %swap3A_36], %add3A_35 {strides = array<i32>} : memref<1000x1000xf32, #tpu.memory_space<vmem>>, vector<1000x1000xf32>,
    return
  }
}

</mosaic_0001>

<sc_bundles>
// kernel: kernel.4.cloned.1.call-start
scs
__scs_entry_jumppad:
0x0: {  	(pc) =	sbr.rel $0x88, $3  }
0x1: {  	(tag) =	ssettag $0x0;
	lr =	simm.s32 $0x1  }
0x2: {  	[smem:$0x3F9B] =	sst lr;
	_ =	strace $0xD0000000  }
0x3: {  	_ = 	snop  }
0x4: {  	_ = 	snop  }
0x5: {  	_ = 	snop  }
0x6: {  	_ = 	snop  }
0x7: {  	_ = 	snop  }
__scs_overlays_trampoline_lowered:
0x8: {  	[smem:$0x3FAA] =	sst s0  }
0x9: {  	[smem:$0x3FAB] =	sst s1  }
0xa: {  	[smem:$0x3FAC] =	sst s2  }
0xb: {  	[smem:$0x3FAD] =	sst s3  }
0xc: {  	[smem:$0x3FAE] =	sst s4  }
0xd: {  	[smem:$0x3FAF] =	sst s5  }
0xe: {  	[smem:$0x3FB0] =	sst s6  }
0xf: {  	[smem:$0x3FB1] =	sst s7  }
0x10: {  	[smem:$0x3FB2] =	sst s8  }
0x11: {  	[smem:$0x3FB3] =	sst s9;
	s0 =	simm.s32 @!p0 $0x0  }
0x12: {  	s1 =	sld [smem:$0x3F99];
	s0 =	simm.s32 @p0 $0x1  }
0x13: {  	[smem:$0x3FB4] =	sst s0;
	s0 =	simm.s32 @!p1 $0x0  }
0x14: {  	s2 =	sld [smem:$0x3F98];
	s0 =	simm.s32 @p1 $0x1  }
0x15: {  	[smem:$0x3FB5] =	sst s0;
	s0 =	simm.s32 @!p2 $0x0  }
0x16: {  	s3 =	sld [smem:$0x3FDB];
	s0 =	simm.s32 @p2 $0x1  }
0x17: {  	s4 =	simm.s32 $0x1BF5;
	[smem:$0x3FB7] =	sst s0  }
0x18: {  	s0 =	sld [smem:$0x3F9A];
	_ =	swait.ge [sflag:s4], $0x0  }
0x19: {  	s7 =	sld [smem:$0x3F9B]  }
0x1a: {  	s8 =	sadd.s32 $0xFFFFE003, lr  }
0x1b: {  	s9 =	sadd.s32 $0xFFFFFEF7, lr;
	s5 =	simm.s32 $0xFFFFFFFF;
	p2 =	slt.u32 s8, $0xFFFFF086  }
0x1c: {  	p1 =	slt.u32 s9, $0xF7A;
	s5 =	simm.s32 @!p2 $0x0  }
0x1d: {  	s5 =	simm.s32 @p1 $0x1;
	p0 =	seq.s32 s7, s2  }
0x1e: {  	s7 =	smul.u32 @!p0 $0xF7A, s2;
	p2 =	seq.s32 @!p0 s5, $0x0  }
0x1f: {  	s9 =	smul.u32 $0xF7A, s1;
	s8 =	simm.s32 @!p0 $0x1BF5;
	p2 =	por !p2, p0  }
0x20: {  	[sflag:s8] =	ssyncset.s32 @!p0 $0xFFFFF086;
	s6 =	sadd.s32 @!p0 s3, s7;
	s7 =	simm.s32 @!p0 $0x108  }
0x21: {  	s3 =	sadd.s32 s3, s9;
	s6 =	sadd.s32 @!p0 $0x88, s6;
	s7 =	simm.s32 @p2 $0x1082  }
0x22: {  	[simem:s7], [sflag:s8] =	dma.local @!p0 [hbm:s6], $0xF7A  }
0x23: {  	s9 =	sor.u32 $0xD0000000, s2;
	s6 =	simm.s32 $0x108;
	_ =	swait.ge @!p0 [sflag:s8], $0x0  }
0x24: {  	s3 =	sadd.s32 $0x88, s3;
	s6 =	simm.s32 @!p1 $0x1082;
	[sflag:s4] =	ssyncset.s32 $0xFFFFF086  }
0x25: {  	[simem:s6], [sflag:s4] =	dma.local [hbm:s3], $0xF7A  }
0x26: {  	[smem:$0x3F9B] =	sst s1;
	(tag) =	ssettag s2;
	_ =	strace s9  }
0x27: {  	s1 =	sld [smem:$0x3FAB]  }
0x28: {  	s2 =	sld [smem:$0x3FAC]  }
0x29: {  	s4 =	sld [smem:$0x3FAE]  }
0x2a: {  	p0 =	seq.s32 s5, $0x0;
	s5 =	sld [smem:$0x3FAF]  }
0x2b: {  	s6 =	sld [smem:$0x3FB0]  }
0x2c: {  	s7 =	sld [smem:$0x3FB1]  }
0x2d: {  	s3 =	simm.s32 $0x108;
	s8 =	sld [smem:$0x3FB2]  }
0x2e: {  	s3 =	simm.s32 @!p0 $0x1082;
	s9 =	sld [smem:$0x3FB3]  }
0x2f: {  	lr =	sadd.s32 s0, s3;
	s0 =	sld [smem:$0x3FAA]  }
0x30: {  	s3 =	sld [smem:$0x3FAD]  }
0x31: {  	[smem:$0x3FB6] =	sst s10  }
0x32: {  	s10 =	sld [smem:$0x3FB4];
	_ =	sdelay $0x3  }
0x33: {  	p0 =	seq.s32 s10, $0x1;
	s10 =	sld [smem:$0x3FB6];
	_ =	sdelay $0x3  }
0x34: {  	[smem:$0x3FB6] =	sst s10  }
0x35: {  	s10 =	sld [smem:$0x3FB5];
	_ =	sdelay $0x3  }
0x36: {  	p1 =	seq.s32 s10, $0x1;
	s10 =	sld [smem:$0x3FB6];
	_ =	sdelay $0x3  }
0x37: {  	[smem:$0x3FB6] =	sst s10  }
0x38: {  	s10 =	sld [smem:$0x3FB7]  }
0x39: {  	_ = 	snop;
	(pc) =	sbr.ind lr, $3  }
0x3a: {  	_ = 	snop  }
0x3b: {  	_ = 	snop  }
0x3c: {  	p2 =	seq.s32 s10, $0x1;
	s10 =	sld [smem:$0x3FB6]  }
0x3d: {  	_ =	shalt  }
0x3e: {  	_ =	shalt  }
0x3f: {  	_ =	shalt  }
0x40: {  	_ =	shalt  }
0x41: {  	_ =	shalt  }
0x42: {  	_ =	shalt  }
0x43: {  	_ =	shalt  }
0x44: {  	_ =	shalt  }
0x45: {  	_ =	shalt  }
0x46: {  	_ =	shalt  }
0x47: {  	_ =	shalt  }
0x48: {  	_ =	shalt  }
0x49: {  	_ =	shalt  }
0x4a: {  	_ =	shalt  }
0x4b: {  	_ =	shalt  }
0x4c: {  	_ =	shalt  }
0x4d: {  	_ =	shalt  }
0x4e: {  	_ =	shalt  }
0x4f: {  	_ =	shalt  }
0x50: {  	_ =	shalt  }
0x51: {  	_ =	shalt  }
0x52: {  	_ =	shalt  }
0x53: {  	_ =	shalt  }
0x54: {  	_ =	shalt  }
0x55: {  	_ =	shalt  }
0x56: {  	_ =	shalt  }
0x57: {  	_ =	shalt  }
0x58: {  	_ =	shalt  }
0x59: {  	_ =	shalt  }
0x5a: {  	_ =	shalt  }
0x5b: {  	_ =	shalt  }
0x5c: {  	_ =	shalt  }
0x5d: {  	_ =	shalt  }
0x5e: {  	_ =	shalt  }
0x5f: {  	_ =	shalt  }
0x60: {  	_ =	shalt  }
0x61: {  	_ =	shalt  }
0x62: {  	_ =	shalt  }
0x63: {  	_ =	shalt  }
0x64: {  	_ =	shalt  }
0x65: {  	_ =	shalt  }
0x66: {  	_ =	shalt  }
0x67: {  	_ =	shalt  }
0x68: {  	_ =	shalt  }
0x69: {  	_ =	shalt  }
0x6a: {  	_ =	shalt  }
0x6b: {  	_ =	shalt  }
0x6c: {  	_ =	shalt  }
0x6d: {  	_ =	shalt  }
0x6e: {  	_ =	shalt  }
0x6f: {  	_ =	shalt  }
0x70: {  	_ =	shalt  }
0x71: {  	_ =	shalt  }
0x72: {  	_ =	shalt  }
0x73: {  	_ =	shalt  }
0x74: {  	_ =	shalt  }
0x75: {  	_ =	shalt  }
0x76: {  	_ =	shalt  }
0x77: {  	_ =	shalt  }
0x78: {  	_ =	shalt  }
0x79: {  	_ =	shalt  }
0x7a: {  	_ =	shalt  }
0x7b: {  	_ =	shalt  }
0x7c: {  	_ =	shalt  }
0x7d: {  	_ =	shalt  }
0x7e: {  	_ =	shalt  }
0x7f: {  	_ =	shalt  }
0x80: {  	_ =	shalt  }
0x81: {  	_ =	shalt  }
0x82: {  	_ =	shalt  }
0x83: {  	_ =	shalt  }
0x84: {  	_ =	shalt  }
0x85: {  	_ =	shalt  }
0x86: {  	_ =	shalt  }
0x87: {  	_ =	shalt  }
.Lfunc_end0:
.L_simem_size_0:
called_computation.1_lowered:
.L_overlay_start_0:
0x88: {  	s2 =	sld [smem:$0x3FD9]  }
0x89: {  	s3 =	sld [smem:$0x3FFE];
	_ =	sdelay $0x1  }
0x8a: {  	s1 =	srdreg.scid  }
0x8b: {  	s0 =	sand.u32 $0x1, s1  }
0x8c: {  	s17 =	sshll.u32 s0, $0xA;
	s2 =	sadd.s32 s3, s2  }
0x8d: {  	s2 =	sadd.s32 s2, s17  }
0x8e: {  	[smem:$0x3FC2] =	sst s2  }
0x8f: {  	_ = 	snop  }
0x90: {  	s2 =	sld [smem:$0x3FD0];
	(tm) =	ssettm $0x1  }
0x91: {  	s18 =	sld [smem:$0x3FFB];
	_ =	sdelay $0x3  }
0x92: {  	_ =	strace s18  }
0x93: {  	s3 =	sld [smem:$0x3FFC];
	_ =	sdelay $0x3  }
0x94: {  	_ =	strace s3  }
0x95: {  	s3 =	sld [smem:$0x3FFD];
	_ =	sdelay $0x3  }
0x96: {  	_ =	strace s3  }
0x97: {  	_ =	strace $0x8FFFFFFF  }
0x98: {  	s19 =	sld [smem:$0x3FDB];
	_ =	sdelay $0x1  }
0x99: {  	s4 =	simm.s32 $_scs_section_size  }
0x9a: {  	s5 =	simm.s32 $_size__tile_overlayer_lowered;
	s6 =	simm.s32 $_tile_overlayer_lowered  }
0x9b: {  	s22 =	simm.s32 $0x1BFF;
	s21 =	sshll.u32 s6, $0x1;
	s3 =	sadd.s32 s4, s19  }
0x9c: {  	s7 =	simm.s32 $0x0;
	s20 =	sshll.u32 s5, $0x1;
	s5 =	sadd.s32 s21, s3  }
0x9d: {  	[timem:s7], [sflag:s22] =	dma.local [hbm:s5], s20  }
0x9e: {  	_ =	swait.ge [sflag:s22], s20  }
0x9f: {  	s4 =	ssub.s32 $0x0, s20;
	[sflag:s22] =	ssyncset.done $0x0  }
0xa0: {  	[sflag:s22] =	ssyncadd.s32 s4;
	_ =	sdelay $0x1  }
0xa1: {  	s23 =	simm.s32 $0x1B8B  }
0xa2: {  	_ =	swait.ge [sflag:s23], $0x1  }
0xa3: {  	[sflag:s23] =	ssyncset.done $0x0  }
0xa4: {  	s25 =	simm.s32 $0x1B8E;
	s24 =	sld [smem:$0x3FFE];
	[sflag:s23] =	ssyncadd.s32 $0xFFFFFFFF  }
0xa5: {  	s26 =	simm.s32 $execute0_lowered;
	[smem:$0x3FD2] =	sst s25  }
0xa6: {  	s5 =	sshll.u32 s26, $0x1;
	_ =	strace $0x80000046;
	[dreg:$0x1] =	wrdreg $0xFFFFFFFF  }
0xa7: {  	s28 =	simm.s32 $_size_execute0_lowered;
	s3 =	sadd.s32 s3, s5;
	[dreg:$0x0] =	wrdreg $0x0  }
0xa8: {  	s5 =	sshll.u32 s28, $0x1;
	[dreg:$0x2] =	wrdreg s3  }
0xa9: {  	[dreg:$0x3] =	wrdreg s5  }
0xaa: {  	[dreg:$0x4] =	wrdreg $0xC0  }
0xab: {  	_ =	task [dreg:s7], $0x5FFFF  }
0xac: {  	[dreg:$0x1] =	wrdreg $0xFFFFFFFF  }
0xad: {  	[dreg:$0x0] =	wrdreg $0x60  }
0xae: {  	[dreg:$0x2] =	wrdreg s24  }
0xaf: {  	[dreg:$0x3] =	wrdreg s2  }
0xb0: {  	[dreg:$0x4] =	wrdreg $0x9  }
0xb1: {  	_ =	task.clear_ibuf [dreg:s7], $0x5FFFF;
	_ =	strace $0x90000046  }
0xb2: {  	s29 =	simm.s32 $0x9;
	_ =	strace $0x80000048  }
0xb3: {  	_ =	swait.ge [sflag:s29], $0x1  }
0xb4: {  	[sflag:s29] =	ssyncadd.s32 $0xFFFFFFFF  }
0xb5: {  	_ =	strace $0x90000048  }
0xb6: {  	_ =	sfence  }
0xb7: {  	s30 =	sld [smem:$0x0];
	_ =	sdelay $0x2  }
0xb8: {  	s31 =	sshll.u32 s1, $0xD;
	s1 =	sshrl.u32 s1, $0x2  }
0xb9: {  	s3 =	sand.u32 $0x4000, s31;
	s1 =	sadd.s32 s1, s30  }
0xba: {  	s0 =	sor.u32 s3, s0;
	s1 =	sshll.u32 s1, $0x11  }
0xbb: {  	s0 =	sor.u32 s1, s0  }
0xbc: {  	s0 =	sadd.s32 $0x8F2B, s0  }
0xbd: {  	[sflag:s0] =	ssyncadd.remote.s32 $0x1  }
0xbe: {  	_ =	sfence.sel $0xFFFF  }
0xbf: {  	[dreg:$0x0] =	wrdreg $0xFFFFFFFF;
	(pc) =	sbr.abs _section_cstart, $3  }
0xc0: {  	[dreg:$0x1] =	wrdreg $0xFFFFFFFF  }
0xc1: {  	_ =	task.clear_ibuf [dreg:s7], $0x2FFFF;
	_ =	strace $0x9FFFFFFF  }
0xc2: {  	(tm) =	ssettm $0x7FFFFFFF  }
0xc3: {  	_ =	shalt  }
tec
execute0_lowered:
.L_overlay_start_1:
0x0: {  	(tag) =	ssettag $0x1  }
0x1: {  	s1 =	srdreg.scid;
	s3 =	rddreg [dreg:$0x0]  }
0x2: {  	s0 =	stileid.u32;
	s10 =	rddreg [dreg:$0x1]  }
0x3: {  	s2 =	simm.s32 $0x0;
	s13 =	simm.s32 $0x1900;
	s14 =	simm.s32 $0x5780  }
0x4: {  	s15 =	simm.s32 $0x20;
	s16 =	simm.s32 $0x9600;
	s17 =	simm.s32 $0x30  }
0x5: {  	s18 =	simm.s32 $0xD480;
	s19 =	simm.s32 $0x1;
	s20 =	simm.s32 $0x2  }
0x6: {  	s21 =	simm.s32 $0x3;
	s22 =	simm.s32 $0x4;
	s23 =	simm.s32 $0x5  }
0x7: {  	s24 =	simm.s32 $0x6;
	s8 =	sand.u32 $0x1, s1;
	s31 =	sshll.u32 s0, $0x1  }
0x8: {  	s25 =	simm.s32 $0x7;
	s11 =	smul.u32 $0x186A00, s0;
	s4 =	sor.u32 s8, s31  }
0x9: {  	s26 =	simm.s32 $0x8;
	s28 =	simm.s32 $0x0;
	s5 =	smul.u32 $0x1900, s4  }
0xa: {  	[smem:$0x7FF] =	sst s2;
	s6 =	ssub.s32 $0x2, s8;
	s9 =	smul.u32 $0xC3500, s4  }
0xb: {  	_ =	strace $0x80000047;
	s12 =	smul.u32 $0xC3500, s8;
	s7 =	sshrl.u32 s6, $0x1  }
0xc: {  	s6 =	ssub.s32 s6, s7;
	s5 =	sshrl.u32 s5, $0x3;
	s9 =	sadd.s32 s10, s9  }
0xd: {  	s10 =	sadd.s32 s11, s10;
	s11 =	simm.s32 $0x9;
	s5 =	sadd.s32 s5, s3  }
0xe: {  	s3 =	sadd.s32 $0x7200, s3;
	s7 =	sadd.s32 $0xC1D90, s9;
	s8 =	sadd.s32 $0xC2560, s9  }
0xf: {  	s10 =	sadd.s32 s12, s10;
	s12 =	simm.s32 $0x10;
	s4 =	sadd.s32 $0xE00, s5  }
0x10: {  	s5 =	smax.u32 s6, $0x1;
	s6 =	sadd.s32 $0xC15C0, s9;
	s9 =	sadd.s32 $0xC2D30, s9  }
.LBB2_1:
0x11: {  	[tilespmem:s2], [sflag:$0x9] =	stream.linear.gather [hbm4b:s4+s2], $0x1900, $0x38;
	[tilespmem:$0x11300] =	vst v63  }
0x12: {  	_ =	swait.ge [sflag:s11], $0x1900  }
0x13: {  	[sflag:s11] =	ssyncset.done $0x0  }
0x14: {  	[sflag:s11] =	ssyncadd.s32 $0xFFFFE700  }
0x15: {  	[tilespmem:s13], [sflag:$0x1] =	stream.indirect.gather [hbm4b:s3+s12], $0x3E8, s2, s12, $0xb8;
	[tilespmem:$0x11300] =	vst v63  }
0x16: {  	_ = 	snop  }
0x17: {  	[tilespmem:s14], [sflag:$0x2] =	stream.indirect.gather [hbm4b:s3+s12], $0x3E8, s12, s12, $0xb8;
	[tilespmem:$0x11300] =	vst v63  }
0x18: {  	_ = 	snop  }
0x19: {  	[tilespmem:s16], [sflag:$0x3] =	stream.indirect.gather [hbm4b:s3+s12], $0x3E8, s15, s12, $0xb8;
	[tilespmem:$0x11300] =	vst v63  }
0x1a: {  	_ = 	snop  }
0x1b: {  	[tilespmem:s18], [sflag:$0x4] =	stream.indirect.gather [hbm4b:s3+s12], $0x3E8, s17, s12, $0xb8;
	[tilespmem:$0x11300] =	vst v63  }
0x1c: {  	_ =	swait.ge [sflag:s19], $0x3E80  }
0x1d: {  	[sflag:s19] =	ssyncset.done $0x0  }
0x1e: {  	s29 =	sadd.s32 $0x0, s10;
	[sflag:s19] =	ssyncadd.s32 $0xFFFFC180  }
0x1f: {  	[hbm4b:s29+s2] =	stream.linear.scatter [tilespmem:s13], [sflag:$0x5], $0x3E80, $0x38;
	[tilespmem:$0x11300] =	vst v63  }
0x20: {  	_ =	swait.ge [sflag:s20], $0x3E80  }
0x21: {  	[sflag:s20] =	ssyncset.done $0x0  }
0x22: {  	s30 =	sadd.s32 $0x7D0, s29;
	[sflag:s20] =	ssyncadd.s32 $0xFFFFC180  }
0x23: {  	[hbm4b:s30+s2] =	stream.linear.scatter [tilespmem:s14], [sflag:$0x6], $0x3E80, $0x38;
	[tilespmem:$0x11300] =	vst v63  }
0x24: {  	_ =	swait.ge [sflag:s21], $0x3E80  }
0x25: {  	[sflag:s21] =	ssyncset.done $0x0  }
0x26: {  	s30 =	sadd.s32 $0xFA0, s29;
	[sflag:s21] =	ssyncadd.s32 $0xFFFFC180  }
0x27: {  	[hbm4b:s30+s2] =	stream.linear.scatter [tilespmem:s16], [sflag:$0x7], $0x3E80, $0x38;
	[tilespmem:$0x11300] =	vst v63  }
0x28: {  	_ =	swait.ge [sflag:s22], $0x3E80  }
0x29: {  	[sflag:s22] =	ssyncset.done $0x0  }
0x2a: {  	s29 =	sadd.s32 $0x1770, s29;
	[sflag:s22] =	ssyncadd.s32 $0xFFFFC180  }
0x2b: {  	[hbm4b:s29+s2] =	stream.linear.scatter [tilespmem:s18], [sflag:$0x8], $0x3E80, $0x38;
	[tilespmem:$0x11300] =	vst v63  }
0x2c: {  	_ =	swait.ge [sflag:s23], $0x3E80  }
0x2d: {  	[sflag:s23] =	ssyncset.done $0x0  }
0x2e: {  	s29 =	simm.s32 $0x40;
	[sflag:s23] =	ssyncadd.s32 $0xFFFFC180  }
0x2f: {  	[tilespmem:s13], [sflag:$0x1] =	stream.indirect.gather [hbm4b:s3+s12], $0x3E8, s29, s12, $0xb8;
	[tilespmem:$0x11300] =	vst v63  }
0x30: {  	_ =	swait.ge [sflag:s24], $0x3E80  }
0x31: {  	[sflag:s24] =	ssyncset.done $0x0  }
0x32: {  	s29 =	simm.s32 $0x50;
	[sflag:s24] =	ssyncadd.s32 $0xFFFFC180  }
0x33: {  	[tilespmem:s14], [sflag:$0x2] =	stream.indirect.gather [hbm4b:s3+s12], $0x3E8, s29, s12, $0xb8;
	[tilespmem:$0x11300] =	vst v63  }
0x34: {  	_ =	swait.ge [sflag:s25], $0x3E80  }
0x35: {  	[sflag:s25] =	ssyncset.done $0x0  }
0x36: {  	s29 =	simm.s32 $0x60;
	[sflag:s25] =	ssyncadd.s32 $0xFFFFC180  }
0x37: {  	[tilespmem:s16], [sflag:$0x3] =	stream.indirect.gather [hbm4b:s3+s12], $0x3E8, s29, s12, $0xb8;
	[tilespmem:$0x11300] =	vst v63  }
0x38: {  	_ =	swait.ge [sflag:s26], $0x3E80  }
0x39: {  	s31 =	simm.s32 $0xB0;
	[sflag:s26] =	ssyncset.done $0x0  }
0x3a: {  	s30 =	simm.s32 $0x1F40;
	s29 =	simm.s32 $0x70;
	[sflag:s26] =	ssyncadd.s32 $0xFFFFC180  }
.LBB2_2:
0x3b: {  	[tilespmem:s18], [sflag:$0x4] =	stream.indirect.gather [hbm4b:s3+s12], $0x3E8, s29, s12, $0xb8;
	[tilespmem:$0x11300] =	vst v63  }
0x3c: {  	s1 =	smov.u32 s30;
	s29 =	smov.u32 s31  }
0x3d: {  	p0 =	sne.s32 s30, $0xBF680;
	s30 =	sadd.s32 $0x1F40, s30;
	_ =	swait.ge [sflag:s19], $0x3E80  }
0x3e: {  	[sflag:s19] =	ssyncset.done $0x0  }
0x3f: {  	s1 =	sadd.s32 s1, s10;
	[sflag:s19] =	ssyncadd.s32 $0xFFFFC180  }
0x40: {  	[hbm4b:s1+s2] =	stream.linear.scatter [tilespmem:s13], [sflag:$0x5], $0x3E80, $0x38;
	[tilespmem:$0x11300] =	vst v63  }
0x41: {  	_ =	swait.ge [sflag:s20], $0x3E80  }
0x42: {  	[sflag:s20] =	ssyncset.done $0x0  }
0x43: {  	s0 =	sadd.s32 $0x7D0, s1;
	[sflag:s20] =	ssyncadd.s32 $0xFFFFC180  }
0x44: {  	[hbm4b:s0+s2] =	stream.linear.scatter [tilespmem:s14], [sflag:$0x6], $0x3E80, $0x38;
	[tilespmem:$0x11300] =	vst v63  }
0x45: {  	_ =	swait.ge [sflag:s21], $0x3E80  }
0x46: {  	[sflag:s21] =	ssyncset.done $0x0  }
0x47: {  	s0 =	sadd.s32 $0xFA0, s1;
	[sflag:s21] =	ssyncadd.s32 $0xFFFFC180  }
0x48: {  	[hbm4b:s0+s2] =	stream.linear.scatter [tilespmem:s16], [sflag:$0x7], $0x3E80, $0x38;
	[tilespmem:$0x11300] =	vst v63  }
0x49: {  	_ =	swait.ge [sflag:s22], $0x3E80  }
0x4a: {  	[sflag:s22] =	ssyncset.done $0x0  }
0x4b: {  	s0 =	sadd.s32 $0x1770, s1;
	[sflag:s22] =	ssyncadd.s32 $0xFFFFC180  }
0x4c: {  	[hbm4b:s0+s2] =	stream.linear.scatter [tilespmem:s18], [sflag:$0x8], $0x3E80, $0x38;
	[tilespmem:$0x11300] =	vst v63  }
0x4d: {  	_ =	swait.ge [sflag:s23], $0x3E80  }
0x4e: {  	[sflag:s23] =	ssyncset.done $0x0  }
0x4f: {  	s0 =	sadd.s32 $0xFFFFFFD0, s31;
	[sflag:s23] =	ssyncadd.s32 $0xFFFFC180  }
0x50: {  	[tilespmem:s13], [sflag:$0x1] =	stream.indirect.gather [hbm4b:s3+s12], $0x3E8, s0, s12, $0xb8;
	[tilespmem:$0x11300] =	vst v63  }
0x51: {  	_ =	swait.ge [sflag:s24], $0x3E80  }
0x52: {  	[sflag:s24] =	ssyncset.done $0x0  }
0x53: {  	s0 =	sadd.s32 $0xFFFFFFE0, s31;
	[sflag:s24] =	ssyncadd.s32 $0xFFFFC180  }
0x54: {  	[tilespmem:s14], [sflag:$0x2] =	stream.indirect.gather [hbm4b:s3+s12], $0x3E8, s0, s12, $0xb8;
	[tilespmem:$0x11300] =	vst v63  }
0x55: {  	_ =	swait.ge [sflag:s25], $0x3E80  }
0x56: {  	[sflag:s25] =	ssyncset.done $0x0  }
.Ltmp0:
0x57: {  	s0 =	sadd.s32 $0xFFFFFFF0, s31;
	[sflag:s25] =	ssyncadd.s32 $0xFFFFC180;
	(pc) =	sbr.rel @p0 .LBB2_2-.Ltmp0, $4  }
0x58: {  	[tilespmem:s16], [sflag:$0x3] =	stream.indirect.gather [hbm4b:s3+s12], $0x3E8, s0, s12, $0xb8;
	[tilespmem:$0x11300] =	vst v63  }
0x59: {  	_ =	swait.ge [sflag:s26], $0x3E80  }
0x5a: {  	[sflag:s26] =	ssyncset.done $0x0  }
0x5b: {  	s31 =	sadd.s32 $0x40, s31;
	[sflag:s26] =	ssyncadd.s32 $0xFFFFC180  }
0x5c: {  	[tilespmem:s18], [sflag:$0x4] =	stream.indirect.gather [hbm4b:s3+s12], $0x3E8, s29, s12, $0xb8;
	[tilespmem:$0x11300] =	vst v63  }
0x5d: {  	_ =	swait.ge [sflag:s19], $0x3E80  }
0x5e: {  	[sflag:s19] =	ssyncset.done $0x0  }
0x5f: {  	[sflag:s19] =	ssyncadd.s32 $0xFFFFC180  }
0x60: {  	[hbm4b:s6+s2] =	stream.linear.scatter [tilespmem:s13], [sflag:$0x5], $0x3E80, $0x38;
	[tilespmem:$0x11300] =	vst v63  }
0x61: {  	_ =	swait.ge [sflag:s20], $0x3E80  }
0x62: {  	[sflag:s20] =	ssyncset.done $0x0  }
0x63: {  	[sflag:s20] =	ssyncadd.s32 $0xFFFFC180  }
0x64: {  	[hbm4b:s7+s2] =	stream.linear.scatter [tilespmem:s14], [sflag:$0x6], $0x3E80, $0x38;
	[tilespmem:$0x11300] =	vst v63  }
0x65: {  	_ =	swait.ge [sflag:s21], $0x3E80  }
0x66: {  	[sflag:s21] =	ssyncset.done $0x0  }
0x67: {  	[sflag:s21] =	ssyncadd.s32 $0xFFFFC180  }
0x68: {  	[hbm4b:s8+s2] =	stream.linear.scatter [tilespmem:s16], [sflag:$0x7], $0x3E80, $0x38;
	[tilespmem:$0x11300] =	vst v63  }
0x69: {  	_ =	swait.ge [sflag:s22], $0x3E80  }
0x6a: {  	[sflag:s22] =	ssyncset.done $0x0  }
0x6b: {  	[sflag:s22] =	ssyncadd.s32 $0xFFFFC180  }
0x6c: {  	[hbm4b:s9+s2] =	stream.linear.scatter [tilespmem:s18], [sflag:$0x8], $0x3E80, $0x38;
	[tilespmem:$0x11300] =	vst v63  }
0x6d: {  	_ =	swait.ge [sflag:s23], $0x3E80  }
0x6e: {  	[sflag:s23] =	ssyncset.done $0x0  }
0x6f: {  	[sflag:s23] =	ssyncadd.s32 $0xFFFFC180  }
0x70: {  	_ =	swait.ge [sflag:s24], $0x3E80  }
0x71: {  	[sflag:s24] =	ssyncset.done $0x0  }
0x72: {  	s28 =	sadd.s32 $0x1, s28;
	[sflag:s24] =	ssyncadd.s32 $0xFFFFC180  }
0x73: {  	p0 =	sne.s32 s28, s5;
	_ =	swait.ge [sflag:s25], $0x3E80  }
.Ltmp1:
0x74: {  	[sflag:s25] =	ssyncset.done $0x0;
	(pc) =	sbr.rel @p0 .LBB2_1-.Ltmp1, $4  }
0x75: {  	[sflag:s25] =	ssyncadd.s32 $0xFFFFC180  }
0x76: {  	_ =	swait.ge [sflag:s26], $0x3E80  }
0x77: {  	[sflag:s26] =	ssyncset.done $0x0  }
0x78: {  	[sflag:s26] =	ssyncadd.s32 $0xFFFFC180  }
0x79: {  	_ =	sfence.sel $0x180000  }
0x7a: {  	[bflag:$0x0] =	sbarrier.arrive $0xFFFF  }
0x7b: {  	_ =	strace $0x90000047  }
0x7c: {  	s0 =	stileid.u32;
	[bflag:$0x2] =	sbarrier.arrive $0xFFFF  }
0x7d: {  	p0 =	sne.s32 s0, $0x0;
	s0 =	rddreg [dreg:$0x2]  }
0x7e: {  	s0 =	sadd.s32 @!p0 $0x100000, s0  }
0x7f: {  	[sflag:s0] =	ssyncadd.tile.s32 @!p0 $0x1;
	_ =	shalt  }
.Lfunc_end2:
_tile_overlayer_lowered:
.L_overlay_start_2:
0x80: {  	(tag) =	ssettag $0x2  }
0x81: {  	s0 =	rddreg [dreg:$0x0];
	s2 =	stileid.u32  }
0x82: {  	s1 =	rddreg [dreg:$0x1];
	p0 =	sne.s32 s2, $0x0  }
0x83: {  	s3 =	rddreg [dreg:$0x2];
	[bflag:$0x3] =	sbarrier.arrive $0xFFFF;
	s2 =	simm.s32 @!p0 $0x1C09  }
0x84: {  	[timem:s3], [sflag:s2] =	dma.local @!p0 [hbm:s0], s1  }
0x85: {  	s0 =	simm.s32 @!p0 $0x9  }
0x86: {  	_ =	swait.ge @!p0 [sflag:s0], s1  }
0x87: {  	s1 =	ssub.s32 @!p0 $0x0, s1;
	[sflag:s0] =	ssyncset.done @!p0 $0x0  }
0x88: {  	[sflag:s0] =	ssyncadd.s32 @!p0 s1  }
0x89: {  	[bflag:$0x3] =	sbarrier.arrive $0xFFFF  }
0x8a: {  	_ =	shalt  }

// kernel: sparse-core-data-format-call.cloned.1.call-start
scs
called_computation_lowered:
.L_overlay_start_0:
0x0: {  	s2 =	sld [smem:$0x3FD9]  }
0x1: {  	s3 =	sld [smem:$0x3FFE];
	_ =	sdelay $0x1  }
0x2: {  	s1 =	srdreg.scid  }
0x3: {  	s0 =	sand.u32 $0x1, s1  }
0x4: {  	s18 =	sshll.u32 s0, $0xA;
	s2 =	sadd.s32 s3, s2  }
0x5: {  	s2 =	sadd.s32 s2, s18  }
0x6: {  	[smem:$0x3FC2] =	sst s2  }
0x7: {  	_ = 	snop  }
0x8: {  	s2 =	sld [smem:$0x3FD0];
	(tm) =	ssettm $0x1  }
0x9: {  	s19 =	sld [smem:$0x3FFB];
	_ =	sdelay $0x3  }
0xa: {  	_ =	strace s19  }
0xb: {  	s3 =	sld [smem:$0x3FFC];
	_ =	sdelay $0x3  }
0xc: {  	_ =	strace s3  }
0xd: {  	s3 =	sld [smem:$0x3FFD];
	_ =	sdelay $0x3  }
0xe: {  	_ =	strace s3  }
0xf: {  	_ =	strace $0x8FFFFFFF  }
0x10: {  	s20 =	sld [smem:$0x3FDB];
	_ =	sdelay $0x1  }
0x11: {  	s4 =	simm.s32 $_scs_section_size  }
0x12: {  	s5 =	simm.s32 $_size__tile_overlayer_lowered;
	s6 =	simm.s32 $_tile_overlayer_lowered  }
0x13: {  	s23 =	simm.s32 $0x1BFF;
	s22 =	sshll.u32 s6, $0x1;
	s3 =	sadd.s32 s4, s20  }
0x14: {  	s7 =	simm.s32 $0x0;
	s21 =	sshll.u32 s5, $0x1;
	s5 =	sadd.s32 s22, s3  }
0x15: {  	[timem:s7], [sflag:s23] =	dma.local [hbm:s5], s21  }
0x16: {  	_ =	swait.ge [sflag:s23], s21  }
0x17: {  	s4 =	ssub.s32 $0x0, s21;
	[sflag:s23] =	ssyncset.done $0x0  }
0x18: {  	[sflag:s23] =	ssyncadd.s32 s4;
	_ =	sdelay $0x1  }
0x19: {  	s24 =	simm.s32 $0x1B8B  }
0x1a: {  	_ =	swait.ge [sflag:s24], $0x1  }
0x1b: {  	[sflag:s24] =	ssyncset.done $0x0  }
0x1c: {  	s26 =	simm.s32 $0x1B8E;
	s25 =	sld [smem:$0x3FFE];
	[sflag:s24] =	ssyncadd.s32 $0xFFFFFFFF  }
0x1d: {  	s27 =	simm.s32 $execute0_lowered;
	[smem:$0x3FD2] =	sst s26  }
0x1e: {  	s5 =	sshll.u32 s27, $0x1;
	_ =	strace $0x80000049;
	[dreg:$0x1] =	wrdreg $0xFFFFFFFF  }
0x1f: {  	s28 =	simm.s32 $_size_execute0_lowered;
	s3 =	sadd.s32 s3, s5;
	[dreg:$0x0] =	wrdreg $0x0  }
0x20: {  	s5 =	sshll.u32 s28, $0x1;
	[dreg:$0x2] =	wrdreg s3  }
0x21: {  	[dreg:$0x3] =	wrdreg s5  }
0x22: {  	[dreg:$0x4] =	wrdreg $0xC0  }
0x23: {  	_ =	task [dreg:s7], $0x5FFFF  }
0x24: {  	[dreg:$0x1] =	wrdreg $0xFFFFFFFF  }
0x25: {  	[dreg:$0x0] =	wrdreg $0x60  }
0x26: {  	[dreg:$0x2] =	wrdreg s25  }
0x27: {  	[dreg:$0x3] =	wrdreg s2  }
0x28: {  	[dreg:$0x4] =	wrdreg $0x9  }
0x29: {  	_ =	task.clear_ibuf [dreg:s7], $0x5FFFF;
	_ =	strace $0x90000049  }
0x2a: {  	s29 =	simm.s32 $0x9;
	_ =	strace $0x8000004B  }
0x2b: {  	_ =	swait.ge [sflag:s29], $0x1  }
0x2c: {  	[sflag:s29] =	ssyncadd.s32 $0xFFFFFFFF  }
0x2d: {  	_ =	strace $0x9000004B  }
0x2e: {  	_ =	sfence  }
0x2f: {  	s30 =	sld [smem:$0x0];
	_ =	sdelay $0x2  }
0x30: {  	s31 =	sshll.u32 s1, $0xD;
	s1 =	sshrl.u32 s1, $0x2  }
0x31: {  	s3 =	sand.u32 $0x4000, s31;
	s1 =	sadd.s32 s1, s30  }
0x32: {  	s0 =	sor.u32 s3, s0;
	s1 =	sshll.u32 s1, $0x11  }
0x33: {  	s0 =	sor.u32 s1, s0  }
0x34: {  	s0 =	sadd.s32 $0x8F2B, s0  }
0x35: {  	[sflag:s0] =	ssyncadd.remote.s32 $0x1  }
0x36: {  	_ =	sfence.sel $0xFFFF  }
0x37: {  	[dreg:$0x0] =	wrdreg $0xFFFFFFFF;
	(pc) =	sbr.abs _section_cstart, $3  }
0x38: {  	[dreg:$0x1] =	wrdreg $0xFFFFFFFF  }
0x39: {  	_ =	task.clear_ibuf [dreg:s7], $0x2FFFF;
	_ =	strace $0x9FFFFFFF  }
0x3a: {  	(tm) =	ssettm $0x7FFFFFFF  }
0x3b: {  	_ =	shalt  }
tec
execute0_lowered:
.L_overlay_start_1:
0x0: {  	(tag) =	ssettag $0x1  }
0x1: {  	s0 =	srdreg.scid;
	s6 =	rddreg [dreg:$0x0]  }
0x2: {  	s3 =	rddreg [dreg:$0x1];
	s1 =	sshll.u32 s0, $0x4  }
0x3: {  	s5 =	simm.s32 $0x1;
	s0 =	stileid.u32;
	s1 =	sand.u32 $0x10, s1  }
0x4: {  	s31 =	simm.s32 $0x2;
	s16 =	simm.s32 $0x0;
	s1 =	sor.u32 s0, s1  }
0x5: {  	s8 =	simm.s32 $0x8000;
	s18 =	simm.s32 $0x0;
	s2 =	sshll.u32 s1, $0x7  }
0x6: {  	s17 =	simm.s32 $0x0;
	s9 =	simm.s32 $0x0;
	s4 =	ssub.s32 $0x1000, s2  }
0x7: {  	s10 =	simm.s32 $0x0;
	s11 =	simm.s32 $0x0;
	s30 =	sand.u32 $0xF80, s4  }
0x8: {  	s12 =	simm.s32 $0x0;
	s13 =	simm.s32 $0x0;
	p0 =	sne.s32 s30, $0x0  }
.Ltmp0:
0x9: {  	s7 =	sshrl.u32 s4, $0xC;
	s5 =	simm.s32 @!p0 $0x0;
	(pc) =	sbr.rel .LBB1_1-.Ltmp0, $4  }
0xa: {  	s15 =	simm.s32 $0x0;
	s1 =	rddreg [dreg:$0x2];
	s5 =	sadd.s32 s5, s7  }
0xb: {  	_ =	strace $0x8000004A;
	s4 =	simm.s32 $0x1;
	s5 =	smul.u32 $0x190, s5  }
0xc: {  	s6 =	sadd.s32 $0xE00, s6;
	s14 =	smov.u32 s2;
	[sflag:s4] =	ssyncpa.u1 $0x0  }
0xd: {  	[sflag:s31] =	ssyncpa.u1 $0x0;
	p0 =	por $0x0, $0x0;
	s7 =	sor.u32 $0x1, s5  }
.LBB1_4:
0xe: {  	s23 =	sshra.s32 s23, $0x2;
	s30 =	sshll.u32 s9, $0xC  }
0xf: {  	p1 =	sgt.s32 s10, $0x31;
	s24 =	smov.u32 s10;
	s25 =	sshra.s32 s10, $0x1F  }
0x10: {  	s26 =	sshll.u32 s11, $0x3;
	s28 =	smov.u32 s11;
	s29 =	sshra.s32 s11, $0x1F  }
0x11: {  	s22 =	sadd.s32 s23, s22;
	s24 =	simm.s32 @!p1 $0x31;
	s25 =	sand.u32 s25, s10  }
0x12: {  	s23 =	sand.u32 $0xFFFF8000, s30;
	s27 =	sand.u32 $0xFFFFFC00, s26;
	p1 =	sgt.s32 s9, $0x368  }
0x13: {  	s31 =	sand.u32 s29, s11;
	s29 =	sshll.u32 s9, $0x7;
	s30 =	sshra.s32 s9, $0x1F  }
0x14: {  	[tilespmem:s21+$0x2040 ss:$0x81] =	vst.msk $0xffff, v4;
	s24 =	ssub.s32 s24, s25;
	s23 =	sadd.s32 s27, s23;
	s27 =	smov.u32 s9  }
0x15: {  	[tilespmem:s21+$0x2850 ss:$0x81] =	vst.msk $0xffff, v3;
	s29 =	sand.u32 $0x380, s29;
	s25 =	sadd.s32 $0xFFFFFFCF, s24;
	s27 =	simm.s32 @!p1 $0x368  }
0x16: {  	v5 =	vld [tilespmem:s20+$0xFFFFFFD0];
	[tilespmem:s21+$0x3060 ss:$0x81] =	vst.msk $0xffff, v2;
	p1 =	sgt.s32 s11, $0xF80;
	s23 =	sshrl.u32 s23, $0xC;
	s24 =	ssub.s32 $0x32, s24  }
0x17: {  	v58 =	vld [tilespmem:s20+$0xFFFFFFE0];
	[tilespmem:s21+$0x0 ss:$0x81] =	vst.msk $0xffff, v1;
	s28 =	simm.s32 @!p1 $0xF80;
	p1 =	sgt.s32 s25, $0x0;
	s21 =	smulhi.u32 $0x418938, s23  }
0x18: {  	v59 =	vld [tilespmem:s20+$0xFFFFFFF0];
	s25 =	ssub.s32 s28, s31;
	s28 =	sand.u32 s30, s9;
	s24 =	simm.s32 @p1 $0x0  }
0x19: {  	v60 =	vld [tilespmem:s20+$0x0];
	s27 =	ssub.s32 s27, s28;
	s31 =	sadd.s32 $0xFFFFF080, s25;
	s25 =	ssub.s32 $0x1000, s25  }
0x1a: {  	v61 =	vld [tilespmem:s20+$0x10];
	[tilespmem:s22+$0x3870 ss:$0x81] =	vst.msk $0xffff, v0;
	s21 =	smul.u32 $0x3E8, s21;
	s28 =	sand.u32 $0x7, s11;
	p1 =	sgt.s32 s31, $0x7F  }
0x1b: {  	v62 =	vld [tilespmem:s20+$0x20];
	[tilespmem:s22+$0x810 ss:$0x81] =	vst.msk $0xffff, v5;
	s30 =	sadd.s32 $0xFFFFFC98, s27;
	s31 =	sand.u32 $0x78, s11;
	s25 =	simm.s32 @p1 $0x0  }
0x1c: {  	v63 =	vld [tilespmem:s20+$0xFFFFFFC0];
	[tilespmem:s22+$0x1020 ss:$0x81] =	vst.msk $0xffff, v58;
	p1 =	sgt.s32 s30, $0x7F;
	s30 =	sand.u32 $0xC00, s26;
	s24 =	smul.u32 s25, s24  }
0x1d: {  	[tilespmem:s22+$0x1830 ss:$0x81] =	vst.msk $0xffff, v59;
	s26 =	ssub.s32 $0x3E8, s27;
	s20 =	sor.u32 s31, s30;
	s31 =	smul.u32 $0x7D000, s10  }
0x1e: {  	[tilespmem:s22+$0x2040 ss:$0x81] =	vst.msk $0xffff, v60;
	s21 =	ssub.s32 s23, s21;
	s26 =	simm.s32 @p1 $0x0;
	s20 =	sor.u32 s29, s20  }
0x1f: {  	[tilespmem:s22+$0x2850 ss:$0x81] =	vst.msk $0xffff, v61;
	s26 =	smul.u32 s26, s24;
	s20 =	sshrl.u32 s20, $0x3;
	s27 =	sadd.s32 s3, s31  }
0x20: {  	[tilespmem:s22+$0x3060 ss:$0x81] =	vst.msk $0xffff, v62;
	s21 =	sshll.u32 s21, $0x9;
	s29 =	sshll.u32 s28, $0x12;
	s20 =	sadd.s32 s20, s27  }
0x21: {  	[tilespmem:s22+$0x0 ss:$0x81] =	vst.msk $0xffff, v63;
	s31 =	sor.u32 $0x400, s29;
	s30 =	sand.u32 $0x3FFFFFFF, s26;
	s20 =	sadd.s32 s21, s20  }
0x22: {  	[hbm4b:s20+s31] =	stream.strided.scatter [tilespmem:s19], [sflag:$0x2], s30, s8, s31, $0x20;
	[tilespmem:$0x10100] =	vst v63  }
.LBB1_5:
0x23: {  	p1 =	slt.u32 s15, $0x2  }
0x24: {  	p2 =	sgt.s32 @!p1 s18, $0x31  }
0x25: {  	s19 =	smov.u32 s18;
	s20 =	sshra.s32 @!p1 s18, $0x1F;
	p2 =	por !p2, p1  }
0x26: {  	s18 =	sand.u32 @!p1 s20, s18;
	s19 =	simm.s32 @p2 $0x31  }
0x27: {  	p3 =	sgt.s32 @!p1 s16, $0x368;
	s18 =	ssub.s32 @!p1 s19, s18  }
0x28: {  	p4 =	sgt.s32 @!p1 s17, $0xF80;
	s21 =	sshra.s32 @!p1 s17, $0x1F;
	s19 =	sadd.s32 @!p1 $0xFFFFFFCF, s18  }
0x29: {  	s20 =	smov.u32 s16;
	p2 =	sgt.s32 @!p1 s19, $0x0;
	s19 =	sshra.s32 @!p1 s16, $0x1F  }
0x2a: {  	p4 =	por !p4, p1;
	s16 =	sand.u32 @!p1 s19, s16;
	s19 =	smov.u32 s17  }
0x2b: {  	p3 =	por !p3, p1;
	s17 =	sand.u32 @!p1 s21, s17;
	s19 =	simm.s32 @p4 $0xF80  }
0x2c: {  	s20 =	simm.s32 @p3 $0x368;
	s18 =	ssub.s32 @!p1 $0x32, s18;
	s17 =	ssub.s32 @!p1 s19, s17  }
0x2d: {  	p2 =	por !p2, p1;
	s16 =	ssub.s32 @!p1 s20, s16;
	s20 =	sadd.s32 @!p1 $0xFFFFF080, s17  }
0x2e: {  	s18 =	simm.s32 @!p2 $0x0;
	p3 =	sgt.s32 @!p1 s20, $0x7F  }
0x2f: {  	s19 =	sadd.s32 @!p1 $0xFFFFFC98, s16;
	s17 =	ssub.s32 @!p1 $0x1000, s17;
	p3 =	por !p3, p1  }
0x30: {  	p2 =	sgt.s32 @!p1 s19, $0x7F;
	s19 =	sadd.s32 $0x80, s12;
	s17 =	simm.s32 @!p3 $0x0  }
0x31: {  	p3 =	sgt.s32 s19, $0x3E7;
	s17 =	smul.u32 @!p1 s17, s18;
	s18 =	simm.s32 $0x1  }
0x32: {  	s16 =	ssub.s32 @!p1 $0x3E8, s16;
	p2 =	por !p2, p1;
	s18 =	simm.s32 @!p3 $0x0  }
0x33: {  	s21 =	smov.u32 s14;
	s16 =	simm.s32 @!p2 $0x0;
	s20 =	sadd.s32 s18, s13  }
0x34: {  	s16 =	smul.u32 @!p1 s16, s17;
	s17 =	sadd.s32 $0x1000, s14;
	p2 =	sgt.s32 s20, $0x31  }
0x35: {  	p0 =	por !p0, !p0;
	s22 =	simm.s32 @!p1 $0x2;
	s21 =	smov.u32 @p2 s17  }
0x36: {  	s19 =	simm.s32 @p3 $0x0;
	s20 =	simm.s32 @p2 $0x0;
	p2 =	sgt.s32 s21, $0xFFF  }
0x37: {  	s18 =	smov.u32 s10;
	s21 =	smov.u32 @p2 s2;
	p2 =	sne.s32 s15, s7  }
.Ltmp1:
0x38: {  	s10 =	smov.u32 s13;
	s16 =	sand.u32 @!p1 $0x3FFFFFFF, s16;
	(pc) =	sbr.rel @!p2 .LBB1_6-.Ltmp1, $4  }
0x39: {  	s17 =	smov.u32 s11;
	s11 =	smov.u32 s14;
	_ =	swait.ge @!p1 [sflag:s22], s16  }
0x3a: {  	s23 =	ssub.s32 @!p1 $0x0, s16;
	s16 =	smov.u32 s9;
	s9 =	smov.u32 s12  }
0x3b: {  	s12 =	smov.u32 s19;
	s13 =	smov.u32 s20;
	[sflag:s22] =	ssyncset.done @!p1 $0x0  }
0x3c: {  	s15 =	sadd.s32 $0x1, s15;
	[sflag:s22] =	ssyncadd.s32 @!p1 s23;
	s14 =	smov.u32 s21  }
.LBB1_1:
0x3d: {  	p1 =	sge.u32 s15, s5  }
0x3e: {  	s19 =	sshll.u32 @!p1 s13, $0xA  }
0x3f: {  	s20 =	sshll.u32 @!p1 s12, $0x3;
	s19 =	sand.u32 @!p1 $0xFFFFE000, s19  }
0x40: {  	s19 =	sadd.s32 @!p1 s19, s20  }
0x41: {  	s19 =	sshrl.u32 @!p1 s19, $0xA  }
0x42: {  	s20 =	smulhi.u32 @!p1 $0x4924925, s19  }
0x43: {  	s21 =	sshll.u32 @!p1 s13, $0x7;
	s23 =	smul.u32 @!p1 $0x1C00, s14  }
0x44: {  	s22 =	sand.u32 @!p1 $0x78, s12;
	s21 =	sand.u32 @!p1 $0x380, s21;
	s20 =	smul.u32 @!p1 $0x38, s20  }
0x45: {  	s31 =	sadd.s32 $0xFFFFFFFF, s15;
	s21 =	sor.u32 @!p1 s22, s21;
	s22 =	sadd.s32 @!p1 s6, s23  }
0x46: {  	s21 =	sshrl.u32 @!p1 s21, $0x3;
	s19 =	ssub.s32 @!p1 s19, s20;
	s20 =	sxor.u32 @!p1 $0xFFFFFFFF, s15  }
0x47: {  	s21 =	sadd.s32 @!p1 s21, s22;
	s22 =	sand.u32 @!p1 $0x7, s12;
	s20 =	sshll.u32 @!p1 s20, $0xE  }
0x48: {  	s22 =	sshll.u32 @!p1 s22, $0x12;
	s19 =	sshll.u32 @!p1 s19, $0x7;
	s20 =	sand.u32 @!p1 $0x4000, s20  }
0x49: {  	s19 =	sadd.s32 @!p1 s19, s21;
	s21 =	sor.u32 @!p1 $0x80, s22;
	s22 =	simm.s32 @!p1 $0xE000  }
0x4a: {  	[tilespmem:s20], [sflag:$0x1] =	stream.strided.gather @!p1 [hbm4b:s19+s21], $0x4000, s22, s21, $0x38;
	[tilespmem:$0x10100] =	vst v63  }
0x4b: {  	p1 =	sge.u32 s31, s5  }
.Ltmp2:
0x4c: {  	_ = 	snop;
	(pc) =	sbr.rel @p1 .LBB1_5-.Ltmp2, $1  }
0x4d: {  	_ =	sdelay $0x3  }
0x4e: {  	s19 =	simm.s32 $0x1  }
0x4f: {  	_ =	swait.ge [sflag:s4], $0x4000;
	s19 =	simm.s32 @!p0 $0x0  }
0x50: {  	[sflag:s4] =	ssyncset.done $0x0;
	s20 =	sshll.u32 s19, $0xE  }
0x51: {  	[sflag:s4] =	ssyncadd.s32 $0xFFFFC000;
	s20 =	sor.u32 $0x40, s20  }
0x52: {  	s19 =	smul.u32 $0x10200, s19;
	v0 =	vld [tilespmem:s20+$0x30]  }
0x53: {  	v1 =	vld [tilespmem:s20+$0xFFFFFFD0]  }
0x54: {  	s19 =	sshrl.u32 s19, $0x2;
	v5 =	vld [tilespmem:s20+$0xFFFFFFE0]  }
0x55: {  	v6 =	vld [tilespmem:s20+$0xFFFFFFF0];
	s22 =	sor.u32 $0x8000, s19  }
0x56: {  	s31 =	sand.u32 $0x1, s15;
	v4 =	vld [tilespmem:s20+$0x0];
	s21 =	sadd.s32 $0x0, s22  }
0x57: {  	v3 =	vld [tilespmem:s20+$0x10];
	s19 =	smul.u32 $0x10200, s31;
	[tilespmem:s21+$0x3870 ss:$0x81] =	vst.msk $0xffff, v0  }
0x58: {  	v2 =	vld [tilespmem:s20+$0x20];
	[tilespmem:s21+$0x810 ss:$0x81] =	vst.msk $0xffff, v1  }
0x59: {  	s19 =	sshrl.u32 s19, $0x2;
	v1 =	vld [tilespmem:s20+$0xFFFFFFC0];
	[tilespmem:s21+$0x1020 ss:$0x81] =	vst.msk $0xffff, v5;
	s20 =	sadd.s32 $0x80, s20  }
0x5a: {  	s23 =	simm.s32 $0x4;
	s24 =	simm.s32 $0x8;
	s19 =	sor.u32 $0x8000, s19;
	[tilespmem:s21+$0x1830 ss:$0x81] =	vst.msk $0xffff, v6;
	v0 =	vld [tilespmem:s20+$0x30]  }
.LBB1_3:
0x5b: {  	p1 =	sne.s32 s24, $0x1FC;
	v5 =	vld [tilespmem:s20+$0xFFFFFFD0];
	[tilespmem:s21+$0x2040 ss:$0x81] =	vst.msk $0xffff, v4  }
0x5c: {  	v6 =	vld [tilespmem:s20+$0xFFFFFFE0];
	[tilespmem:s21+$0x2850 ss:$0x81] =	vst.msk $0xffff, v3  }
0x5d: {  	s25 =	sshra.s32 s23, $0x2;
	s23 =	smov.u32 s24;
	v7 =	vld [tilespmem:s20+$0xFFFFFFF0];
	[tilespmem:s21+$0x3060 ss:$0x81] =	vst.msk $0xffff, v2  }
.Ltmp3:
0x5e: {  	v4 =	vld [tilespmem:s20+$0x0];
	[tilespmem:s21+$0x0 ss:$0x81] =	vst.msk $0xffff, v1;
	s21 =	sadd.s32 s25, s22;
	(pc) =	sbr.rel @p1 .LBB1_3-.Ltmp3, $4  }
0x5f: {  	v3 =	vld [tilespmem:s20+$0x10];
	[tilespmem:s21+$0x3870 ss:$0x81] =	vst.msk $0xffff, v0  }
0x60: {  	[tilespmem:s21+$0x810 ss:$0x81] =	vst.msk $0xffff, v5;
	v2 =	vld [tilespmem:s20+$0x20]  }
0x61: {  	v1 =	vld [tilespmem:s20+$0xFFFFFFC0];
	[tilespmem:s21+$0x1020 ss:$0x81] =	vst.msk $0xffff, v6;
	s20 =	sadd.s32 $0x80, s20  }
0x62: {  	s24 =	sadd.s32 $0x4, s24;
	v0 =	vld [tilespmem:s20+$0x30];
	[tilespmem:s21+$0x1830 ss:$0x81] =	vst.msk $0xffff, v7  }
.Ltmp4:
0x63: {  	_ = 	snop;
	(pc) =	sbr.rel .LBB1_4-.Ltmp4, $1  }
0x64: {  	_ =	sdelay $0x3  }
.LBB1_6:
0x65: {  	_ =	sfence.sel $0x180000  }
0x66: {  	s2 =	simm.s32 $0x1;
	[bflag:$0x0] =	sbarrier.arrive $0xFFFF  }
0x67: {  	s31 =	simm.s32 $0x2;
	[sflag:s2] =	ssyncpa.u1 $0x1  }
0x68: {  	[sflag:s31] =	ssyncpa.u1 $0x1  }
0x69: {  	p0 =	sne.s32 s0, $0x0;
	_ =	strace $0x9000004A  }
0x6a: {  	s0 =	sadd.s32 @!p0 $0x100000, s1;
	[bflag:$0x2] =	sbarrier.arrive $0xFFFF  }
0x6b: {  	[sflag:s0] =	ssyncadd.tile.s32 @!p0 $0x1;
	_ =	shalt  }
.Lfunc_end1:
_tile_overlayer_lowered:
.L_overlay_start_2:
0x6c: {  	(tag) =	ssettag $0x2  }
0x6d: {  	s0 =	rddreg [dreg:$0x0];
	s2 =	stileid.u32  }
0x6e: {  	s1 =	rddreg [dreg:$0x1];
	p0 =	sne.s32 s2, $0x0  }
0x6f: {  	s3 =	rddreg [dreg:$0x2];
	[bflag:$0x3] =	sbarrier.arrive $0xFFFF;
	s2 =	simm.s32 @!p0 $0x1C01  }
0x70: {  	[timem:s3], [sflag:s2] =	dma.local @!p0 [hbm:s0], s1  }
0x71: {  	s0 =	simm.s32 @!p0 $0x1  }
0x72: {  	_ =	swait.ge @!p0 [sflag:s0], s1  }
0x73: {  	s1 =	ssub.s32 @!p0 $0x0, s1;
	[sflag:s0] =	ssyncset.done @!p0 $0x0  }
0x74: {  	[sflag:s0] =	ssyncadd.s32 @!p0 s1  }
0x75: {  	[bflag:$0x3] =	sbarrier.arrive $0xFFFF  }
0x76: {  	_ =	shalt  }

</sc_bundles>
